<compile_context>
chip_gen: v7x
topology: tpu7x:2x2x1
jax: 0.10.2.dev20260603
libtpu: 0.0.44.dev20260713+nightly
codegen_flags: <defaults>
</compile_context>

<pallas_src>
import functools

import jax
import jax.numpy as jnp
from jax import lax
from jax.experimental import pallas as pl
from jax.experimental.pallas import tpu as pltpu
from jax.experimental.pallas import tpu_sc as plsc

VOCAB_SIZE = 100000
P = 16
ALPHA = 8
D = P * ALPHA
B = 1024
L = 200

NC = 2
NS = 16
NW = NC * NS

N_ROWS = B * L
ROWS_PER_W = N_ROWS // NW
CHUNK = 128
N_CHUNKS = ROWS_PER_W // CHUNK
NBUF = 6
PF = 4

_STEADY = N_CHUNKS - NBUF
_ITERS = _STEADY // NBUF
HEAD_END = (NBUF - PF) + (_STEADY - _ITERS * NBUF)
TAIL_LO = HEAD_END + _ITERS * NBUF


@functools.partial(
    pl.kernel,
    out_type=jax.ShapeDtypeStruct((N_ROWS, D), jnp.float32),
    mesh=plsc.VectorSubcoreMesh(core_axis_name="c", subcore_axis_name="s",
                                num_cores=NC, num_subcores=NS),
    scratch_types=[
        pltpu.VMEM((ROWS_PER_W,), jnp.int32),
        [pltpu.VMEM((CHUNK, D), jnp.float32) for _ in range(NBUF)],
        [pltpu.SemaphoreType.DMA for _ in range(NBUF)],
        [pltpu.SemaphoreType.DMA for _ in range(NBUF)],
    ],
)
def _gather_kernel(idx_hbm, table_hbm, out_hbm, idx_v, bufs, gsems, osems):
    wid = lax.axis_index("s") * NC + lax.axis_index("c")
    base = wid * ROWS_PER_W
    pltpu.sync_copy(idx_hbm.at[pl.ds(base, ROWS_PER_W)], idx_v)

    def start_gather(j, pos):
        pltpu.async_copy(table_hbm.at[idx_v.at[pl.ds(j * CHUNK, CHUNK)]],
                         bufs[pos], gsems[pos])

    def wait_gather(j, pos):
        pltpu.make_async_copy(table_hbm.at[idx_v.at[pl.ds(j * CHUNK, CHUNK)]], bufs[pos],
                              gsems[pos]).wait()

    def start_out(j, pos):
        pltpu.async_copy(bufs[pos], out_hbm.at[pl.ds(base + j * CHUNK, CHUNK)],
                         osems[pos])

    def wait_out(j, pos):
        pltpu.make_async_copy(bufs[pos],
                              out_hbm.at[pl.ds(base + j * CHUNK, CHUNK)],
                              osems[pos]).wait()

    def process(j, jpos):
        pos = jpos % NBUF
        wait_gather(j, pos)
        start_out(j, pos)
        if jpos + PF < N_CHUNKS:
            npos = (jpos + PF) % NBUF
            if jpos + PF >= NBUF:
                wait_out(j + PF - NBUF, npos)
            start_gather(j + PF, npos)

    for j in range(PF):
        start_gather(j, j % NBUF)

    for j in range(HEAD_END):
        process(j, j)

    def body(i, carry):
        jb = HEAD_END + i * NBUF
        for off in range(NBUF):
            process(jb + off, HEAD_END + off)
        return carry

    lax.fori_loop(0, _ITERS, body, 0)

    for j in range(TAIL_LO, N_CHUNKS):
        process(j, j)

    for j in range(N_CHUNKS - NBUF, N_CHUNKS):
        wait_out(j, j % NBUF)


def kernel(input_ids, embedding):
    idx = input_ids.reshape(N_ROWS).astype(jnp.int32)
    out = _gather_kernel(idx, embedding)
    return out.reshape(B, L, D)

# --- scband reference (transcript-rebuilt; emitter-appended) ---
"""Pipeline reference for scband-cepta-embedding-26843545600404 (READ-ONLY COPY).

The authoritative reference and input builder live on the scoring server;
editing this copy changes nothing except your own understanding.
"""

import jax, jax.numpy as jnp
import numpy as np

VOCAB_SIZE = 100000
P = 16
ALPHA = 8
D = P * ALPHA
B = 1024
L = 200

def flatten_ports(y):
    # inverse of the [B, L, P, alpha] split: back to [B, L, P*alpha]
    return y.reshape(y.shape[0], y.shape[1], y.shape[2] * y.shape[3])

def setup_inputs(seed: int = 0) -> dict:
    key = jax.random.key(seed)
    k1, k2 = jax.random.split(key)
    input_ids = jax.random.randint(k1, (B, L), 0, VOCAB_SIZE, dtype=jnp.int64 if jax.config.jax_enable_x64 else jnp.int32)
    embedding = jax.random.normal(k2, (VOCAB_SIZE, D), dtype=jnp.float32)
    return {"input_ids": input_ids, "embedding": embedding}

def reference(input_ids, embedding):
    x = jnp.take(embedding, input_ids, axis=0)  # [B, L, D]
    y = x.reshape(x.shape[0], x.shape[1], P, ALPHA)  # [B, L, P, alpha]
    x_flat = flatten_ports(y)  # [B, L, D]
    return x_flat

if __name__ == "__main__":
    import jax
    _d = setup_inputs()
    print(jax.jit(kernel)(*tuple(_d.values())))

</pallas_src>

<mosaic_0001>
#map = affine_map<(d0, d1) -> (0)>
#map1 = affine_map<(d0, d1) -> (0, 0)>
module attributes {stable_mosaic.version = 14 : i64} {
  func.func @_gather_kernel(%arg0: i32, %arg1: i32, %arg2: memref<204800xi32, #tpu.memory_space<hbm>>, %arg3: memref<100000x128xf32, #tpu.memory_space<hbm>>, %arg4: memref<204800x128xf32, #tpu.memory_space<hbm>>, %arg5: memref<6400xi32, #tpu.memory_space<vmem>>, %arg6: memref<128x128xf32, #tpu.memory_space<vmem>>, %arg7: memref<128x128xf32, #tpu.memory_space<vmem>>, %arg8: memref<128x128xf32, #tpu.memory_space<vmem>>, %arg9: memref<128x128xf32, #tpu.memory_space<vmem>>, %arg10: memref<128x128xf32, #tpu.memory_space<vmem>>, %arg11: memref<128x128xf32, #tpu.memory_space<vmem>>, %arg12: memref<!tpu.dma_semaphore, #tpu.memory_space<semaphore_mem>>, %arg13: memref<!tpu.dma_semaphore, #tpu.memory_space<semaphore_mem>>, %arg14: memref<!tpu.dma_semaphore, #tpu.memory_space<semaphore_mem>>, %arg15: memref<!tpu.dma_semaphore, #tpu.memory_space<semaphore_mem>>, %arg16: memref<!tpu.dma_semaphore, #tpu.memory_space<semaphore_mem>>, %arg17: memref<!tpu.dma_semaphore, #tpu.memory_space<semaphore_mem>>, %arg18: memref<!tpu.dma_semaphore, #tpu.memory_space<semaphore_mem>>, %arg19: memref<!tpu.dma_semaphore, #tpu.memory_space<semaphore_mem>>, %arg20: memref<!tpu.dma_semaphore, #tpu.memory_space<semaphore_mem>>, %arg21: memref<!tpu.dma_semaphore, #tpu.memory_space<semaphore_mem>>, %arg22: memref<!tpu.dma_semaphore, #tpu.memory_space<semaphore_mem>>, %arg23: memref<!tpu.dma_semaphore, #tpu.memory_space<semaphore_mem>>) attributes {dimension_semantics = [#tpu.dimension_semantics<core_parallel>, #tpu.dimension_semantics<subcore_parallel>], iteration_bounds = array<i64: 2, 16>, scalar_prefetch = 0 : i64, scratch_operands = 19 : i64, tpu.core_type = #tpu.core_type<sc_vector_subcore>, window_params = [{transform_indices = #map}, {transform_indices = #map1}, {transform_indices = #map1}]} {
    %mul3A = arith.constant 2 : i32
    %mul3A_0 = arith.muli %arg1, %mul3A : i32
    %add3A = arith.addi %mul3A_0, %arg0 : i32
    %mul3A_1 = arith.constant 6400 : i32
    %mul3A_2 = arith.muli %add3A, %mul3A_1 : i32
    "tpu.region"() ({
      %run_scoped3A = tpu.sem_alloc : memref<!tpu.dma_semaphore, #tpu.memory_space<semaphore_mem>>
      %dma_start3A_182 = tpu.memref_slice %arg2[%mul3A_2] : memref<204800xi32, #tpu.memory_space<hbm>> -> memref<6400xi32, #tpu.memory_space<hbm>>
      %dma_start3A_183 = tpu.memref_slice %arg2[%mul3A_2] : memref<204800xi32, #tpu.memory_space<hbm>> -> memref<6400xi32, #tpu.memory_space<hbm>>
      tpu.enqueue_dma source(%dma_start3A_183 : memref<6400xi32, #tpu.memory_space<hbm>>) target(%arg5 : memref<6400xi32, #tpu.memory_space<vmem>>) target_semaphore(%run_scoped3A : memref<!tpu.dma_semaphore, #tpu.memory_space<semaphore_mem>>)
      %dma_wait3A_184 = tpu.memref_slice %arg2[%mul3A_2] : memref<204800xi32, #tpu.memory_space<hbm>> -> memref<6400xi32, #tpu.memory_space<hbm>>
      %dma_wait3A_185 = tpu.memref_slice %arg2[%mul3A_2] : memref<204800xi32, #tpu.memory_space<hbm>> -> memref<6400xi32, #tpu.memory_space<hbm>>
      tpu.wait_dma2 semaphore(%run_scoped3A : memref<!tpu.dma_semaphore, #tpu.memory_space<semaphore_mem>>) src(%dma_wait3A_185 : memref<6400xi32, #tpu.memory_space<hbm>>) dst(%arg5 : memref<6400xi32, #tpu.memory_space<vmem>>)
      tpu.yield
    }) : () -> ()
    %dma_start3A = arith.constant 0 : i32
    %dma_start3A_3 = tpu.memref_slice %arg5[%dma_start3A] : memref<6400xi32, #tpu.memory_space<vmem>> -> memref<128xi32, #tpu.memory_space<vmem>>
    %dma_start3A_4 = arith.constant 0 : i32
    %dma_start3A_5 = arith.constant 0 : i32
    %dma_start3A_6 = tpu.memref_slice %arg3[%dma_start3A_4, %dma_start3A_5] : memref<100000x128xf32, #tpu.memory_space<hbm>> -> memref<100000x128xf32, #tpu.memory_space<hbm>>
    tpu.enqueue_indirect_dma source(%dma_start3A_6 : memref<100000x128xf32, #tpu.memory_space<hbm>>) target(%arg6 : memref<128x128xf32, #tpu.memory_space<vmem>>) offsets(%dma_start3A_3 : memref<128xi32, #tpu.memory_space<vmem>>) semaphore(%arg12 : memref<!tpu.dma_semaphore, #tpu.memory_space<semaphore_mem>>)
    %dma_start3A_7 = arith.constant 128 : i32
    %dma_start3A_8 = tpu.memref_slice %arg5[%dma_start3A_7] : memref<6400xi32, #tpu.memory_space<vmem>> -> memref<128xi32, #tpu.memory_space<vmem>>
    %dma_start3A_9 = arith.constant 0 : i32
    %dma_start3A_10 = arith.constant 0 : i32
    %dma_start3A_11 = tpu.memref_slice %arg3[%dma_start3A_9, %dma_start3A_10] : memref<100000x128xf32, #tpu.memory_space<hbm>> -> memref<100000x128xf32, #tpu.memory_space<hbm>>
    tpu.enqueue_indirect_dma source(%dma_start3A_11 : memref<100000x128xf32, #tpu.memory_space<hbm>>) target(%arg7 : memref<128x128xf32, #tpu.memory_space<vmem>>) offsets(%dma_start3A_8 : memref<128xi32, #tpu.memory_space<vmem>>) semaphore(%arg13 : memref<!tpu.dma_semaphore, #tpu.memory_space<semaphore_mem>>)
    %dma_start3A_12 = arith.constant 256 : i32
    %dma_start3A_13 = tpu.memref_slice %arg5[%dma_start3A_12] : memref<6400xi32, #tpu.memory_space<vmem>> -> memref<128xi32, #tpu.memory_space<vmem>>
    %dma_start3A_14 = arith.constant 0 : i32
    %dma_start3A_15 = arith.constant 0 : i32
    %dma_start3A_16 = tpu.memref_slice %arg3[%dma_start3A_14, %dma_start3A_15] : memref<100000x128xf32, #tpu.memory_space<hbm>> -> memref<100000x128xf32, #tpu.memory_space<hbm>>
    tpu.enqueue_indirect_dma source(%dma_start3A_16 : memref<100000x128xf32, #tpu.memory_space<hbm>>) target(%arg8 : memref<128x128xf32, #tpu.memory_space<vmem>>) offsets(%dma_start3A_13 : memref<128xi32, #tpu.memory_space<vmem>>) semaphore(%arg14 : memref<!tpu.dma_semaphore, #tpu.memory_space<semaphore_mem>>)
    %dma_start3A_17 = arith.constant 384 : i32
    %dma_start3A_18 = tpu.memref_slice %arg5[%dma_start3A_17] : memref<6400xi32, #tpu.memory_space<vmem>> -> memref<128xi32, #tpu.memory_space<vmem>>
    %dma_start3A_19 = arith.constant 0 : i32
    %dma_start3A_20 = arith.constant 0 : i32
    %dma_start3A_21 = tpu.memref_slice %arg3[%dma_start3A_19, %dma_start3A_20] : memref<100000x128xf32, #tpu.memory_space<hbm>> -> memref<100000x128xf32, #tpu.memory_space<hbm>>
    tpu.enqueue_indirect_dma source(%dma_start3A_21 : memref<100000x128xf32, #tpu.memory_space<hbm>>) target(%arg9 : memref<128x128xf32, #tpu.memory_space<vmem>>) offsets(%dma_start3A_18 : memref<128xi32, #tpu.memory_space<vmem>>) semaphore(%arg15 : memref<!tpu.dma_semaphore, #tpu.memory_space<semaphore_mem>>)
    %dma_wait3A = arith.constant 0 : i32
    %dma_wait3A_22 = tpu.memref_slice %arg5[%dma_wait3A] : memref<6400xi32, #tpu.memory_space<vmem>> -> memref<128xi32, #tpu.memory_space<vmem>>
    %dma_wait3A_23 = arith.constant 0 : i32
    %dma_wait3A_24 = arith.constant 0 : i32
    %dma_wait3A_25 = tpu.memref_slice %arg3[%dma_wait3A_23, %dma_wait3A_24] : memref<100000x128xf32, #tpu.memory_space<hbm>> -> memref<100000x128xf32, #tpu.memory_space<hbm>>
    tpu.wait_indirect_dma semaphore(%arg12 : memref<!tpu.dma_semaphore, #tpu.memory_space<semaphore_mem>>) src(%dma_wait3A_25 : memref<100000x128xf32, #tpu.memory_space<hbm>>) dst(%arg6 : memref<128x128xf32, #tpu.memory_space<vmem>>)
    %add3A_26 = arith.constant 0 : i32
    %add3A_27 = arith.addi %mul3A_2, %add3A_26 : i32
    %dma_start3A_28 = arith.constant 0 : i32
    %dma_start3A_29 = tpu.memref_slice %arg4[%add3A_27, %dma_start3A_28] : memref<204800x128xf32, #tpu.memory_space<hbm>> -> memref<128x128xf32, #tpu.memory_space<hbm>>
    %dma_start3A_30 = arith.constant 0 : i32
    %dma_start3A_31 = tpu.memref_slice %arg4[%add3A_27, %dma_start3A_30] : memref<204800x128xf32, #tpu.memory_space<hbm>> -> memref<128x128xf32, #tpu.memory_space<hbm>>
    tpu.enqueue_dma source(%arg6 : memref<128x128xf32, #tpu.memory_space<vmem>>) target(%dma_start3A_31 : memref<128x128xf32, #tpu.memory_space<hbm>>) target_semaphore(%arg18 : memref<!tpu.dma_semaphore, #tpu.memory_space<semaphore_mem>>)
    %dma_start3A_32 = arith.constant 512 : i32
    %dma_start3A_33 = tpu.memref_slice %arg5[%dma_start3A_32] : memref<6400xi32, #tpu.memory_space<vmem>> -> memref<128xi32, #tpu.memory_space<vmem>>
    %dma_start3A_34 = arith.constant 0 : i32
    %dma_start3A_35 = arith.constant 0 : i32
    %dma_start3A_36 = tpu.memref_slice %arg3[%dma_start3A_34, %dma_start3A_35] : memref<100000x128xf32, #tpu.memory_space<hbm>> -> memref<100000x128xf32, #tpu.memory_space<hbm>>
    tpu.enqueue_indirect_dma source(%dma_start3A_36 : memref<100000x128xf32, #tpu.memory_space<hbm>>) target(%arg10 : memref<128x128xf32, #tpu.memory_space<vmem>>) offsets(%dma_start3A_33 : memref<128xi32, #tpu.memory_space<vmem>>) semaphore(%arg16 : memref<!tpu.dma_semaphore, #tpu.memory_space<semaphore_mem>>)
    %dma_wait3A_37 = arith.constant 128 : i32
    %dma_wait3A_38 = tpu.memref_slice %arg5[%dma_wait3A_37] : memref<6400xi32, #tpu.memory_space<vmem>> -> memref<128xi32, #tpu.memory_space<vmem>>
    %dma_wait3A_39 = arith.constant 0 : i32
    %dma_wait3A_40 = arith.constant 0 : i32
    %dma_wait3A_41 = tpu.memref_slice %arg3[%dma_wait3A_39, %dma_wait3A_40] : memref<100000x128xf32, #tpu.memory_space<hbm>> -> memref<100000x128xf32, #tpu.memory_space<hbm>>
    tpu.wait_indirect_dma semaphore(%arg13 : memref<!tpu.dma_semaphore, #tpu.memory_space<semaphore_mem>>) src(%dma_wait3A_41 : memref<100000x128xf32, #tpu.memory_space<hbm>>) dst(%arg7 : memref<128x128xf32, #tpu.memory_space<vmem>>)
    %add3A_42 = arith.constant 128 : i32
    %add3A_43 = arith.addi %mul3A_2, %add3A_42 : i32
    %dma_start3A_44 = arith.constant 0 : i32
    %dma_start3A_45 = tpu.memref_slice %arg4[%add3A_43, %dma_start3A_44] : memref<204800x128xf32, #tpu.memory_space<hbm>> -> memref<128x128xf32, #tpu.memory_space<hbm>>
    %dma_start3A_46 = arith.constant 0 : i32
    %dma_start3A_47 = tpu.memref_slice %arg4[%add3A_43, %dma_start3A_46] : memref<204800x128xf32, #tpu.memory_space<hbm>> -> memref<128x128xf32, #tpu.memory_space<hbm>>
    tpu.enqueue_dma source(%arg7 : memref<128x128xf32, #tpu.memory_space<vmem>>) target(%dma_start3A_47 : memref<128x128xf32, #tpu.memory_space<hbm>>) target_semaphore(%arg19 : memref<!tpu.dma_semaphore, #tpu.memory_space<semaphore_mem>>)
    %dma_start3A_48 = arith.constant 640 : i32
    %dma_start3A_49 = tpu.memref_slice %arg5[%dma_start3A_48] : memref<6400xi32, #tpu.memory_space<vmem>> -> memref<128xi32, #tpu.memory_space<vmem>>
    %dma_start3A_50 = arith.constant 0 : i32
    %dma_start3A_51 = arith.constant 0 : i32
    %dma_start3A_52 = tpu.memref_slice %arg3[%dma_start3A_50, %dma_start3A_51] : memref<100000x128xf32, #tpu.memory_space<hbm>> -> memref<100000x128xf32, #tpu.memory_space<hbm>>
    tpu.enqueue_indirect_dma source(%dma_start3A_52 : memref<100000x128xf32, #tpu.memory_space<hbm>>) target(%arg11 : memref<128x128xf32, #tpu.memory_space<vmem>>) offsets(%dma_start3A_49 : memref<128xi32, #tpu.memory_space<vmem>>) semaphore(%arg17 : memref<!tpu.dma_semaphore, #tpu.memory_space<semaphore_mem>>)
    %dma_wait3A_53 = arith.constant 256 : i32
    %dma_wait3A_54 = tpu.memref_slice %arg5[%dma_wait3A_53] : memref<6400xi32, #tpu.memory_space<vmem>> -> memref<128xi32, #tpu.memory_space<vmem>>
    %dma_wait3A_55 = arith.constant 0 : i32
    %dma_wait3A_56 = arith.constant 0 : i32
    %dma_wait3A_57 = tpu.memref_slice %arg3[%dma_wait3A_55, %dma_wait3A_56] : memref<100000x128xf32, #tpu.memory_space<hbm>> -> memref<100000x128xf32, #tpu.memory_space<hbm>>
    tpu.wait_indirect_dma semaphore(%arg14 : memref<!tpu.dma_semaphore, #tpu.memory_space<semaphore_mem>>) src(%dma_wait3A_57 : memref<100000x128xf32, #tpu.memory_space<hbm>>) dst(%arg8 : memref<128x128xf32, #tpu.memory_space<vmem>>)
    %add3A_58 = arith.constant 256 : i32
    %add3A_59 = arith.addi %mul3A_2, %add3A_58 : i32
    %dma_start3A_60 = arith.constant 0 : i32
    %dma_start3A_61 = tpu.memref_slice %arg4[%add3A_59, %dma_start3A_60] : memref<204800x128xf32, #tpu.memory_space<hbm>> -> memref<128x128xf32, #tpu.memory_space<hbm>>
    %dma_start3A_62 = arith.constant 0 : i32
    %dma_start3A_63 = tpu.memref_slice %arg4[%add3A_59, %dma_start3A_62] : memref<204800x128xf32, #tpu.memory_space<hbm>> -> memref<128x128xf32, #tpu.memory_space<hbm>>
    tpu.enqueue_dma source(%arg8 : memref<128x128xf32, #tpu.memory_space<vmem>>) target(%dma_start3A_63 : memref<128x128xf32, #tpu.memory_space<hbm>>) target_semaphore(%arg20 : memref<!tpu.dma_semaphore, #tpu.memory_space<semaphore_mem>>)
    %add3A_64 = arith.constant 0 : i32
    %add3A_65 = arith.addi %mul3A_2, %add3A_64 : i32
    %dma_wait3A_66 = arith.constant 0 : i32
    %dma_wait3A_67 = tpu.memref_slice %arg4[%add3A_65, %dma_wait3A_66] : memref<204800x128xf32, #tpu.memory_space<hbm>> -> memref<128x128xf32, #tpu.memory_space<hbm>>
    %dma_wait3A_68 = arith.constant 0 : i32
    %dma_wait3A_69 = tpu.memref_slice %arg4[%add3A_65, %dma_wait3A_68] : memref<204800x128xf32, #tpu.memory_space<hbm>> -> memref<128x128xf32, #tpu.memory_space<hbm>>
    tpu.wait_dma2 semaphore(%arg18 : memref<!tpu.dma_semaphore, #tpu.memory_space<semaphore_mem>>) src(%arg6 : memref<128x128xf32, #tpu.memory_space<vmem>>) dst(%dma_wait3A_69 : memref<128x128xf32, #tpu.memory_space<hbm>>)
    %dma_start3A_70 = arith.constant 768 : i32
    %dma_start3A_71 = tpu.memref_slice %arg5[%dma_start3A_70] : memref<6400xi32, #tpu.memory_space<vmem>> -> memref<128xi32, #tpu.memory_space<vmem>>
    %dma_start3A_72 = arith.constant 0 : i32
    %dma_start3A_73 = arith.constant 0 : i32
    %dma_start3A_74 = tpu.memref_slice %arg3[%dma_start3A_72, %dma_start3A_73] : memref<100000x128xf32, #tpu.memory_space<hbm>> -> memref<100000x128xf32, #tpu.memory_space<hbm>>
    tpu.enqueue_indirect_dma source(%dma_start3A_74 : memref<100000x128xf32, #tpu.memory_space<hbm>>) target(%arg6 : memref<128x128xf32, #tpu.memory_space<vmem>>) offsets(%dma_start3A_71 : memref<128xi32, #tpu.memory_space<vmem>>) semaphore(%arg12 : memref<!tpu.dma_semaphore, #tpu.memory_space<semaphore_mem>>)
    %dma_wait3A_75 = arith.constant 384 : i32
    %dma_wait3A_76 = tpu.memref_slice %arg5[%dma_wait3A_75] : memref<6400xi32, #tpu.memory_space<vmem>> -> memref<128xi32, #tpu.memory_space<vmem>>
    %dma_wait3A_77 = arith.constant 0 : i32
    %dma_wait3A_78 = arith.constant 0 : i32
    %dma_wait3A_79 = tpu.memref_slice %arg3[%dma_wait3A_77, %dma_wait3A_78] : memref<100000x128xf32, #tpu.memory_space<hbm>> -> memref<100000x128xf32, #tpu.memory_space<hbm>>
    tpu.wait_indirect_dma semaphore(%arg15 : memref<!tpu.dma_semaphore, #tpu.memory_space<semaphore_mem>>) src(%dma_wait3A_79 : memref<100000x128xf32, #tpu.memory_space<hbm>>) dst(%arg9 : memref<128x128xf32, #tpu.memory_space<vmem>>)
    %add3A_80 = arith.constant 384 : i32
    %add3A_81 = arith.addi %mul3A_2, %add3A_80 : i32
    %dma_start3A_82 = arith.constant 0 : i32
    %dma_start3A_83 = tpu.memref_slice %arg4[%add3A_81, %dma_start3A_82] : memref<204800x128xf32, #tpu.memory_space<hbm>> -> memref<128x128xf32, #tpu.memory_space<hbm>>
    %dma_start3A_84 = arith.constant 0 : i32
    %dma_start3A_85 = tpu.memref_slice %arg4[%add3A_81, %dma_start3A_84] : memref<204800x128xf32, #tpu.memory_space<hbm>> -> memref<128x128xf32, #tpu.memory_space<hbm>>
    tpu.enqueue_dma source(%arg9 : memref<128x128xf32, #tpu.memory_space<vmem>>) target(%dma_start3A_85 : memref<128x128xf32, #tpu.memory_space<hbm>>) target_semaphore(%arg21 : memref<!tpu.dma_semaphore, #tpu.memory_space<semaphore_mem>>)
    %add3A_86 = arith.constant 128 : i32
    %add3A_87 = arith.addi %mul3A_2, %add3A_86 : i32
    %dma_wait3A_88 = arith.constant 0 : i32
    %dma_wait3A_89 = tpu.memref_slice %arg4[%add3A_87, %dma_wait3A_88] : memref<204800x128xf32, #tpu.memory_space<hbm>> -> memref<128x128xf32, #tpu.memory_space<hbm>>
    %dma_wait3A_90 = arith.constant 0 : i32
    %dma_wait3A_91 = tpu.memref_slice %arg4[%add3A_87, %dma_wait3A_90] : memref<204800x128xf32, #tpu.memory_space<hbm>> -> memref<128x128xf32, #tpu.memory_space<hbm>>
    tpu.wait_dma2 semaphore(%arg19 : memref<!tpu.dma_semaphore, #tpu.memory_space<semaphore_mem>>) src(%arg7 : memref<128x128xf32, #tpu.memory_space<vmem>>) dst(%dma_wait3A_91 : memref<128x128xf32, #tpu.memory_space<hbm>>)
    %dma_start3A_92 = arith.constant 896 : i32
    %dma_start3A_93 = tpu.memref_slice %arg5[%dma_start3A_92] : memref<6400xi32, #tpu.memory_space<vmem>> -> memref<128xi32, #tpu.memory_space<vmem>>
    %dma_start3A_94 = arith.constant 0 : i32
    %dma_start3A_95 = arith.constant 0 : i32
    %dma_start3A_96 = tpu.memref_slice %arg3[%dma_start3A_94, %dma_start3A_95] : memref<100000x128xf32, #tpu.memory_space<hbm>> -> memref<100000x128xf32, #tpu.memory_space<hbm>>
    tpu.enqueue_indirect_dma source(%dma_start3A_96 : memref<100000x128xf32, #tpu.memory_space<hbm>>) target(%arg7 : memref<128x128xf32, #tpu.memory_space<vmem>>) offsets(%dma_start3A_93 : memref<128xi32, #tpu.memory_space<vmem>>) semaphore(%arg13 : memref<!tpu.dma_semaphore, #tpu.memory_space<semaphore_mem>>)
    %scan3A = arith.constant 0 : i32
    %scan3A_97 = arith.constant 0 : i32
    %scan3A_98 = arith.constant 7 : i32
    %scan3A_99 = arith.addi %scan3A_97, %scan3A_98 : i32
    %scan3A_100 = arith.constant 1 : i32
    scf.for %scan3A_182 = %scan3A_97 to %scan3A_99 step %scan3A_100  : i32 {
      %mul3A_183 = arith.constant 6 : i32
      %mul3A_184 = arith.muli %scan3A_182, %mul3A_183 : i32
      %add3A_185 = arith.constant 4 : i32
      %add3A_186 = arith.addi %add3A_185, %mul3A_184 : i32
      %add3A_187 = arith.constant 0 : i32
      %add3A_188 = arith.addi %add3A_186, %add3A_187 : i32
      %mul3A_189 = arith.constant 128 : i32
      %mul3A_190 = arith.muli %add3A_188, %mul3A_189 : i32
      %dma_wait3A_191 = tpu.memref_slice %arg5[%mul3A_190] : memref<6400xi32, #tpu.memory_space<vmem>> -> memref<128xi32, #tpu.memory_space<vmem>>
      %dma_wait3A_192 = arith.constant 0 : i32
      %dma_wait3A_193 = arith.constant 0 : i32
      %dma_wait3A_194 = tpu.memref_slice %arg3[%dma_wait3A_192, %dma_wait3A_193] : memref<100000x128xf32, #tpu.memory_space<hbm>> -> memref<100000x128xf32, #tpu.memory_space<hbm>>
      tpu.wait_indirect_dma semaphore(%arg16 : memref<!tpu.dma_semaphore, #tpu.memory_space<semaphore_mem>>) src(%dma_wait3A_194 : memref<100000x128xf32, #tpu.memory_space<hbm>>) dst(%arg10 : memref<128x128xf32, #tpu.memory_space<vmem>>)
      %mul3A_195 = arith.constant 128 : i32
      %mul3A_196 = arith.muli %add3A_188, %mul3A_195 : i32
      %add3A_197 = arith.addi %mul3A_2, %mul3A_196 : i32
      %dma_start3A_198 = arith.constant 0 : i32
      %dma_start3A_199 = tpu.memref_slice %arg4[%add3A_197, %dma_start3A_198] : memref<204800x128xf32, #tpu.memory_space<hbm>> -> memref<128x128xf32, #tpu.memory_space<hbm>>
      %dma_start3A_200 = arith.constant 0 : i32
      %dma_start3A_201 = tpu.memref_slice %arg4[%add3A_197, %dma_start3A_200] : memref<204800x128xf32, #tpu.memory_space<hbm>> -> memref<128x128xf32, #tpu.memory_space<hbm>>
      tpu.enqueue_dma source(%arg10 : memref<128x128xf32, #tpu.memory_space<vmem>>) target(%dma_start3A_201 : memref<128x128xf32, #tpu.memory_space<hbm>>) target_semaphore(%arg22 : memref<!tpu.dma_semaphore, #tpu.memory_space<semaphore_mem>>)
      %add3A_202 = arith.constant 4 : i32
      %add3A_203 = arith.addi %add3A_188, %add3A_202 : i32
      %sub3A = arith.constant 6 : i32
      %sub3A_204 = arith.subi %add3A_203, %sub3A : i32
      %mul3A_205 = arith.constant 128 : i32
      %mul3A_206 = arith.muli %sub3A_204, %mul3A_205 : i32
      %add3A_207 = arith.addi %mul3A_2, %mul3A_206 : i32
      %dma_wait3A_208 = arith.constant 0 : i32
      %dma_wait3A_209 = tpu.memref_slice %arg4[%add3A_207, %dma_wait3A_208] : memref<204800x128xf32, #tpu.memory_space<hbm>> -> memref<128x128xf32, #tpu.memory_space<hbm>>
      %dma_wait3A_210 = arith.constant 0 : i32
      %dma_wait3A_211 = tpu.memref_slice %arg4[%add3A_207, %dma_wait3A_210] : memref<204800x128xf32, #tpu.memory_space<hbm>> -> memref<128x128xf32, #tpu.memory_space<hbm>>
      tpu.wait_dma2 semaphore(%arg20 : memref<!tpu.dma_semaphore, #tpu.memory_space<semaphore_mem>>) src(%arg8 : memref<128x128xf32, #tpu.memory_space<vmem>>) dst(%dma_wait3A_211 : memref<128x128xf32, #tpu.memory_space<hbm>>)
      %add3A_212 = arith.constant 4 : i32
      %add3A_213 = arith.addi %add3A_188, %add3A_212 : i32
      %mul3A_214 = arith.constant 128 : i32
      %mul3A_215 = arith.muli %add3A_213, %mul3A_214 : i32
      %dma_start3A_216 = tpu.memref_slice %arg5[%mul3A_215] : memref<6400xi32, #tpu.memory_space<vmem>> -> memref<128xi32, #tpu.memory_space<vmem>>
      %dma_start3A_217 = arith.constant 0 : i32
      %dma_start3A_218 = arith.constant 0 : i32
      %dma_start3A_219 = tpu.memref_slice %arg3[%dma_start3A_217, %dma_start3A_218] : memref<100000x128xf32, #tpu.memory_space<hbm>> -> memref<100000x128xf32, #tpu.memory_space<hbm>>
      tpu.enqueue_indirect_dma source(%dma_start3A_219 : memref<100000x128xf32, #tpu.memory_space<hbm>>) target(%arg8 : memref<128x128xf32, #tpu.memory_space<vmem>>) offsets(%dma_start3A_216 : memref<128xi32, #tpu.memory_space<vmem>>) semaphore(%arg14 : memref<!tpu.dma_semaphore, #tpu.memory_space<semaphore_mem>>)
      %add3A_220 = arith.constant 1 : i32
      %add3A_221 = arith.addi %add3A_186, %add3A_220 : i32
      %mul3A_222 = arith.constant 128 : i32
      %mul3A_223 = arith.muli %add3A_221, %mul3A_222 : i32
      %dma_wait3A_224 = tpu.memref_slice %arg5[%mul3A_223] : memref<6400xi32, #tpu.memory_space<vmem>> -> memref<128xi32, #tpu.memory_space<vmem>>
      %dma_wait3A_225 = arith.constant 0 : i32
      %dma_wait3A_226 = arith.constant 0 : i32
      %dma_wait3A_227 = tpu.memref_slice %arg3[%dma_wait3A_225, %dma_wait3A_226] : memref<100000x128xf32, #tpu.memory_space<hbm>> -> memref<100000x128xf32, #tpu.memory_space<hbm>>
      tpu.wait_indirect_dma semaphore(%arg17 : memref<!tpu.dma_semaphore, #tpu.memory_space<semaphore_mem>>) src(%dma_wait3A_227 : memref<100000x128xf32, #tpu.memory_space<hbm>>) dst(%arg11 : memref<128x128xf32, #tpu.memory_space<vmem>>)
      %mul3A_228 = arith.constant 128 : i32
      %mul3A_229 = arith.muli %add3A_221, %mul3A_228 : i32
      %add3A_230 = arith.addi %mul3A_2, %mul3A_229 : i32
      %dma_start3A_231 = arith.constant 0 : i32
      %dma_start3A_232 = tpu.memref_slice %arg4[%add3A_230, %dma_start3A_231] : memref<204800x128xf32, #tpu.memory_space<hbm>> -> memref<128x128xf32, #tpu.memory_space<hbm>>
      %dma_start3A_233 = arith.constant 0 : i32
      %dma_start3A_234 = tpu.memref_slice %arg4[%add3A_230, %dma_start3A_233] : memref<204800x128xf32, #tpu.memory_space<hbm>> -> memref<128x128xf32, #tpu.memory_space<hbm>>
      tpu.enqueue_dma source(%arg11 : memref<128x128xf32, #tpu.memory_space<vmem>>) target(%dma_start3A_234 : memref<128x128xf32, #tpu.memory_space<hbm>>) target_semaphore(%arg23 : memref<!tpu.dma_semaphore, #tpu.memory_space<semaphore_mem>>)
      %add3A_235 = arith.constant 4 : i32
      %add3A_236 = arith.addi %add3A_221, %add3A_235 : i32
      %sub3A_237 = arith.constant 6 : i32
      %sub3A_238 = arith.subi %add3A_236, %sub3A_237 : i32
      %mul3A_239 = arith.constant 128 : i32
      %mul3A_240 = arith.muli %sub3A_238, %mul3A_239 : i32
      %add3A_241 = arith.addi %mul3A_2, %mul3A_240 : i32
      %dma_wait3A_242 = arith.constant 0 : i32
      %dma_wait3A_243 = tpu.memref_slice %arg4[%add3A_241, %dma_wait3A_242] : memref<204800x128xf32, #tpu.memory_space<hbm>> -> memref<128x128xf32, #tpu.memory_space<hbm>>
      %dma_wait3A_244 = arith.constant 0 : i32
      %dma_wait3A_245 = tpu.memref_slice %arg4[%add3A_241, %dma_wait3A_244] : memref<204800x128xf32, #tpu.memory_space<hbm>> -> memref<128x128xf32, #tpu.memory_space<hbm>>
      tpu.wait_dma2 semaphore(%arg21 : memref<!tpu.dma_semaphore, #tpu.memory_space<semaphore_mem>>) src(%arg9 : memref<128x128xf32, #tpu.memory_space<vmem>>) dst(%dma_wait3A_245 : memref<128x128xf32, #tpu.memory_space<hbm>>)
      %add3A_246 = arith.constant 4 : i32
      %add3A_247 = arith.addi %add3A_221, %add3A_246 : i32
      %mul3A_248 = arith.constant 128 : i32
      %mul3A_249 = arith.muli %add3A_247, %mul3A_248 : i32
      %dma_start3A_250 = tpu.memref_slice %arg5[%mul3A_249] : memref<6400xi32, #tpu.memory_space<vmem>> -> memref<128xi32, #tpu.memory_space<vmem>>
      %dma_start3A_251 = arith.constant 0 : i32
      %dma_start3A_252 = arith.constant 0 : i32
      %dma_start3A_253 = tpu.memref_slice %arg3[%dma_start3A_251, %dma_start3A_252] : memref<100000x128xf32, #tpu.memory_space<hbm>> -> memref<100000x128xf32, #tpu.memory_space<hbm>>
      tpu.enqueue_indirect_dma source(%dma_start3A_253 : memref<100000x128xf32, #tpu.memory_space<hbm>>) target(%arg9 : memref<128x128xf32, #tpu.memory_space<vmem>>) offsets(%dma_start3A_250 : memref<128xi32, #tpu.memory_space<vmem>>) semaphore(%arg15 : memref<!tpu.dma_semaphore, #tpu.memory_space<semaphore_mem>>)
      %add3A_254 = arith.constant 2 : i32
      %add3A_255 = arith.addi %add3A_186, %add3A_254 : i32
      %mul3A_256 = arith.constant 128 : i32
      %mul3A_257 = arith.muli %add3A_255, %mul3A_256 : i32
      %dma_wait3A_258 = tpu.memref_slice %arg5[%mul3A_257] : memref<6400xi32, #tpu.memory_space<vmem>> -> memref<128xi32, #tpu.memory_space<vmem>>
      %dma_wait3A_259 = arith.constant 0 : i32
      %dma_wait3A_260 = arith.constant 0 : i32
      %dma_wait3A_261 = tpu.memref_slice %arg3[%dma_wait3A_259, %dma_wait3A_260] : memref<100000x128xf32, #tpu.memory_space<hbm>> -> memref<100000x128xf32, #tpu.memory_space<hbm>>
      tpu.wait_indirect_dma semaphore(%arg12 : memref<!tpu.dma_semaphore, #tpu.memory_space<semaphore_mem>>) src(%dma_wait3A_261 : memref<100000x128xf32, #tpu.memory_space<hbm>>) dst(%arg6 : memref<128x128xf32, #tpu.memory_space<vmem>>)
      %mul3A_262 = arith.constant 128 : i32
      %mul3A_263 = arith.muli %add3A_255, %mul3A_262 : i32
      %add3A_264 = arith.addi %mul3A_2, %mul3A_263 : i32
      %dma_start3A_265 = arith.constant 0 : i32
      %dma_start3A_266 = tpu.memref_slice %arg4[%add3A_264, %dma_start3A_265] : memref<204800x128xf32, #tpu.memory_space<hbm>> -> memref<128x128xf32, #tpu.memory_space<hbm>>
      %dma_start3A_267 = arith.constant 0 : i32
      %dma_start3A_268 = tpu.memref_slice %arg4[%add3A_264, %dma_start3A_267] : memref<204800x128xf32, #tpu.memory_space<hbm>> -> memref<128x128xf32, #tpu.memory_space<hbm>>
      tpu.enqueue_dma source(%arg6 : memref<128x128xf32, #tpu.memory_space<vmem>>) target(%dma_start3A_268 : memref<128x128xf32, #tpu.memory_space<hbm>>) target_semaphore(%arg18 : memref<!tpu.dma_semaphore, #tpu.memory_space<semaphore_mem>>)
      %add3A_269 = arith.constant 4 : i32
      %add3A_270 = arith.addi %add3A_255, %add3A_269 : i32
      %sub3A_271 = arith.constant 6 : i32
      %sub3A_272 = arith.subi %add3A_270, %sub3A_271 : i32
      %mul3A_273 = arith.constant 128 : i32
      %mul3A_274 = arith.muli %sub3A_272, %mul3A_273 : i32
      %add3A_275 = arith.addi %mul3A_2, %mul3A_274 : i32
      %dma_wait3A_276 = arith.constant 0 : i32
      %dma_wait3A_277 = tpu.memref_slice %arg4[%add3A_275, %dma_wait3A_276] : memref<204800x128xf32, #tpu.memory_space<hbm>> -> memref<128x128xf32, #tpu.memory_space<hbm>>
      %dma_wait3A_278 = arith.constant 0 : i32
      %dma_wait3A_279 = tpu.memref_slice %arg4[%add3A_275, %dma_wait3A_278] : memref<204800x128xf32, #tpu.memory_space<hbm>> -> memref<128x128xf32, #tpu.memory_space<hbm>>
      tpu.wait_dma2 semaphore(%arg22 : memref<!tpu.dma_semaphore, #tpu.memory_space<semaphore_mem>>) src(%arg10 : memref<128x128xf32, #tpu.memory_space<vmem>>) dst(%dma_wait3A_279 : memref<128x128xf32, #tpu.memory_space<hbm>>)
      %add3A_280 = arith.constant 4 : i32
      %add3A_281 = arith.addi %add3A_255, %add3A_280 : i32
      %mul3A_282 = arith.constant 128 : i32
      %mul3A_283 = arith.muli %add3A_281, %mul3A_282 : i32
      %dma_start3A_284 = tpu.memref_slice %arg5[%mul3A_283] : memref<6400xi32, #tpu.memory_space<vmem>> -> memref<128xi32, #tpu.memory_space<vmem>>
      %dma_start3A_285 = arith.constant 0 : i32
      %dma_start3A_286 = arith.constant 0 : i32
      %dma_start3A_287 = tpu.memref_slice %arg3[%dma_start3A_285, %dma_start3A_286] : memref<100000x128xf32, #tpu.memory_space<hbm>> -> memref<100000x128xf32, #tpu.memory_space<hbm>>
      tpu.enqueue_indirect_dma source(%dma_start3A_287 : memref<100000x128xf32, #tpu.memory_space<hbm>>) target(%arg10 : memref<128x128xf32, #tpu.memory_space<vmem>>) offsets(%dma_start3A_284 : memref<128xi32, #tpu.memory_space<vmem>>) semaphore(%arg16 : memref<!tpu.dma_semaphore, #tpu.memory_space<semaphore_mem>>)
      %add3A_288 = arith.constant 3 : i32
      %add3A_289 = arith.addi %add3A_186, %add3A_288 : i32
      %mul3A_290 = arith.constant 128 : i32
      %mul3A_291 = arith.muli %add3A_289, %mul3A_290 : i32
      %dma_wait3A_292 = tpu.memref_slice %arg5[%mul3A_291] : memref<6400xi32, #tpu.memory_space<vmem>> -> memref<128xi32, #tpu.memory_space<vmem>>
      %dma_wait3A_293 = arith.constant 0 : i32
      %dma_wait3A_294 = arith.constant 0 : i32
      %dma_wait3A_295 = tpu.memref_slice %arg3[%dma_wait3A_293, %dma_wait3A_294] : memref<100000x128xf32, #tpu.memory_space<hbm>> -> memref<100000x128xf32, #tpu.memory_space<hbm>>
      tpu.wait_indirect_dma semaphore(%arg13 : memref<!tpu.dma_semaphore, #tpu.memory_space<semaphore_mem>>) src(%dma_wait3A_295 : memref<100000x128xf32, #tpu.memory_space<hbm>>) dst(%arg7 : memref<128x128xf32, #tpu.memory_space<vmem>>)
      %mul3A_296 = arith.constant 128 : i32
      %mul3A_297 = arith.muli %add3A_289, %mul3A_296 : i32
      %add3A_298 = arith.addi %mul3A_2, %mul3A_297 : i32
      %dma_start3A_299 = arith.constant 0 : i32
      %dma_start3A_300 = tpu.memref_slice %arg4[%add3A_298, %dma_start3A_299] : memref<204800x128xf32, #tpu.memory_space<hbm>> -> memref<128x128xf32, #tpu.memory_space<hbm>>
      %dma_start3A_301 = arith.constant 0 : i32
      %dma_start3A_302 = tpu.memref_slice %arg4[%add3A_298, %dma_start3A_301] : memref<204800x128xf32, #tpu.memory_space<hbm>> -> memref<128x128xf32, #tpu.memory_space<hbm>>
      tpu.enqueue_dma source(%arg7 : memref<128x128xf32, #tpu.memory_space<vmem>>) target(%dma_start3A_302 : memref<128x128xf32, #tpu.memory_space<hbm>>) target_semaphore(%arg19 : memref<!tpu.dma_semaphore, #tpu.memory_space<semaphore_mem>>)
      %add3A_303 = arith.constant 4 : i32
      %add3A_304 = arith.addi %add3A_289, %add3A_303 : i32
      %sub3A_305 = arith.constant 6 : i32
      %sub3A_306 = arith.subi %add3A_304, %sub3A_305 : i32
      %mul3A_307 = arith.constant 128 : i32
      %mul3A_308 = arith.muli %sub3A_306, %mul3A_307 : i32
      %add3A_309 = arith.addi %mul3A_2, %mul3A_308 : i32
      %dma_wait3A_310 = arith.constant 0 : i32
      %dma_wait3A_311 = tpu.memref_slice %arg4[%add3A_309, %dma_wait3A_310] : memref<204800x128xf32, #tpu.memory_space<hbm>> -> memref<128x128xf32, #tpu.memory_space<hbm>>
      %dma_wait3A_312 = arith.constant 0 : i32
      %dma_wait3A_313 = tpu.memref_slice %arg4[%add3A_309, %dma_wait3A_312] : memref<204800x128xf32, #tpu.memory_space<hbm>> -> memref<128x128xf32, #tpu.memory_space<hbm>>
      tpu.wait_dma2 semaphore(%arg23 : memref<!tpu.dma_semaphore, #tpu.memory_space<semaphore_mem>>) src(%arg11 : memref<128x128xf32, #tpu.memory_space<vmem>>) dst(%dma_wait3A_313 : memref<128x128xf32, #tpu.memory_space<hbm>>)
      %add3A_314 = arith.constant 4 : i32
      %add3A_315 = arith.addi %add3A_289, %add3A_314 : i32
      %mul3A_316 = arith.constant 128 : i32
      %mul3A_317 = arith.muli %add3A_315, %mul3A_316 : i32
      %dma_start3A_318 = tpu.memref_slice %arg5[%mul3A_317] : memref<6400xi32, #tpu.memory_space<vmem>> -> memref<128xi32, #tpu.memory_space<vmem>>
      %dma_start3A_319 = arith.constant 0 : i32
      %dma_start3A_320 = arith.constant 0 : i32
      %dma_start3A_321 = tpu.memref_slice %arg3[%dma_start3A_319, %dma_start3A_320] : memref<100000x128xf32, #tpu.memory_space<hbm>> -> memref<100000x128xf32, #tpu.memory_space<hbm>>
      tpu.enqueue_indirect_dma source(%dma_start3A_321 : memref<100000x128xf32, #tpu.memory_space<hbm>>) target(%arg11 : memref<128x128xf32, #tpu.memory_space<vmem>>) offsets(%dma_start3A_318 : memref<128xi32, #tpu.memory_space<vmem>>) semaphore(%arg17 : memref<!tpu.dma_semaphore, #tpu.memory_space<semaphore_mem>>)
      %add3A_322 = arith.constant 4 : i32
      %add3A_323 = arith.addi %add3A_186, %add3A_322 : i32
      %mul3A_324 = arith.constant 128 : i32
      %mul3A_325 = arith.muli %add3A_323, %mul3A_324 : i32
      %dma_wait3A_326 = tpu.memref_slice %arg5[%mul3A_325] : memref<6400xi32, #tpu.memory_space<vmem>> -> memref<128xi32, #tpu.memory_space<vmem>>
      %dma_wait3A_327 = arith.constant 0 : i32
      %dma_wait3A_328 = arith.constant 0 : i32
      %dma_wait3A_329 = tpu.memref_slice %arg3[%dma_wait3A_327, %dma_wait3A_328] : memref<100000x128xf32, #tpu.memory_space<hbm>> -> memref<100000x128xf32, #tpu.memory_space<hbm>>
      tpu.wait_indirect_dma semaphore(%arg14 : memref<!tpu.dma_semaphore, #tpu.memory_space<semaphore_mem>>) src(%dma_wait3A_329 : memref<100000x128xf32, #tpu.memory_space<hbm>>) dst(%arg8 : memref<128x128xf32, #tpu.memory_space<vmem>>)
      %mul3A_330 = arith.constant 128 : i32
      %mul3A_331 = arith.muli %add3A_323, %mul3A_330 : i32
      %add3A_332 = arith.addi %mul3A_2, %mul3A_331 : i32
      %dma_start3A_333 = arith.constant 0 : i32
      %dma_start3A_334 = tpu.memref_slice %arg4[%add3A_332, %dma_start3A_333] : memref<204800x128xf32, #tpu.memory_space<hbm>> -> memref<128x128xf32, #tpu.memory_space<hbm>>
      %dma_start3A_335 = arith.constant 0 : i32
      %dma_start3A_336 = tpu.memref_slice %arg4[%add3A_332, %dma_start3A_335] : memref<204800x128xf32, #tpu.memory_space<hbm>> -> memref<128x128xf32, #tpu.memory_space<hbm>>
      tpu.enqueue_dma source(%arg8 : memref<128x128xf32, #tpu.memory_space<vmem>>) target(%dma_start3A_336 : memref<128x128xf32, #tpu.memory_space<hbm>>) target_semaphore(%arg20 : memref<!tpu.dma_semaphore, #tpu.memory_space<semaphore_mem>>)
      %add3A_337 = arith.constant 4 : i32
      %add3A_338 = arith.addi %add3A_323, %add3A_337 : i32
      %sub3A_339 = arith.constant 6 : i32
      %sub3A_340 = arith.subi %add3A_338, %sub3A_339 : i32
      %mul3A_341 = arith.constant 128 : i32
      %mul3A_342 = arith.muli %sub3A_340, %mul3A_341 : i32
      %add3A_343 = arith.addi %mul3A_2, %mul3A_342 : i32
      %dma_wait3A_344 = arith.constant 0 : i32
      %dma_wait3A_345 = tpu.memref_slice %arg4[%add3A_343, %dma_wait3A_344] : memref<204800x128xf32, #tpu.memory_space<hbm>> -> memref<128x128xf32, #tpu.memory_space<hbm>>
      %dma_wait3A_346 = arith.constant 0 : i32
      %dma_wait3A_347 = tpu.memref_slice %arg4[%add3A_343, %dma_wait3A_346] : memref<204800x128xf32, #tpu.memory_space<hbm>> -> memref<128x128xf32, #tpu.memory_space<hbm>>
      tpu.wait_dma2 semaphore(%arg18 : memref<!tpu.dma_semaphore, #tpu.memory_space<semaphore_mem>>) src(%arg6 : memref<128x128xf32, #tpu.memory_space<vmem>>) dst(%dma_wait3A_347 : memref<128x128xf32, #tpu.memory_space<hbm>>)
      %add3A_348 = arith.constant 4 : i32
      %add3A_349 = arith.addi %add3A_323, %add3A_348 : i32
      %mul3A_350 = arith.constant 128 : i32
      %mul3A_351 = arith.muli %add3A_349, %mul3A_350 : i32
      %dma_start3A_352 = tpu.memref_slice %arg5[%mul3A_351] : memref<6400xi32, #tpu.memory_space<vmem>> -> memref<128xi32, #tpu.memory_space<vmem>>
      %dma_start3A_353 = arith.constant 0 : i32
      %dma_start3A_354 = arith.constant 0 : i32
      %dma_start3A_355 = tpu.memref_slice %arg3[%dma_start3A_353, %dma_start3A_354] : memref<100000x128xf32, #tpu.memory_space<hbm>> -> memref<100000x128xf32, #tpu.memory_space<hbm>>
      tpu.enqueue_indirect_dma source(%dma_start3A_355 : memref<100000x128xf32, #tpu.memory_space<hbm>>) target(%arg6 : memref<128x128xf32, #tpu.memory_space<vmem>>) offsets(%dma_start3A_352 : memref<128xi32, #tpu.memory_space<vmem>>) semaphore(%arg12 : memref<!tpu.dma_semaphore, #tpu.memory_space<semaphore_mem>>)
      %add3A_356 = arith.constant 5 : i32
      %add3A_357 = arith.addi %add3A_186, %add3A_356 : i32
      %mul3A_358 = arith.constant 128 : i32
      %mul3A_359 = arith.muli %add3A_357, %mul3A_358 : i32
      %dma_wait3A_360 = tpu.memref_slice %arg5[%mul3A_359] : memref<6400xi32, #tpu.memory_space<vmem>> -> memref<128xi32, #tpu.memory_space<vmem>>
      %dma_wait3A_361 = arith.constant 0 : i32
      %dma_wait3A_362 = arith.constant 0 : i32
      %dma_wait3A_363 = tpu.memref_slice %arg3[%dma_wait3A_361, %dma_wait3A_362] : memref<100000x128xf32, #tpu.memory_space<hbm>> -> memref<100000x128xf32, #tpu.memory_space<hbm>>
      tpu.wait_indirect_dma semaphore(%arg15 : memref<!tpu.dma_semaphore, #tpu.memory_space<semaphore_mem>>) src(%dma_wait3A_363 : memref<100000x128xf32, #tpu.memory_space<hbm>>) dst(%arg9 : memref<128x128xf32, #tpu.memory_space<vmem>>)
      %mul3A_364 = arith.constant 128 : i32
      %mul3A_365 = arith.muli %add3A_357, %mul3A_364 : i32
      %add3A_366 = arith.addi %mul3A_2, %mul3A_365 : i32
      %dma_start3A_367 = arith.constant 0 : i32
      %dma_start3A_368 = tpu.memref_slice %arg4[%add3A_366, %dma_start3A_367] : memref<204800x128xf32, #tpu.memory_space<hbm>> -> memref<128x128xf32, #tpu.memory_space<hbm>>
      %dma_start3A_369 = arith.constant 0 : i32
      %dma_start3A_370 = tpu.memref_slice %arg4[%add3A_366, %dma_start3A_369] : memref<204800x128xf32, #tpu.memory_space<hbm>> -> memref<128x128xf32, #tpu.memory_space<hbm>>
      tpu.enqueue_dma source(%arg9 : memref<128x128xf32, #tpu.memory_space<vmem>>) target(%dma_start3A_370 : memref<128x128xf32, #tpu.memory_space<hbm>>) target_semaphore(%arg21 : memref<!tpu.dma_semaphore, #tpu.memory_space<semaphore_mem>>)
      %add3A_371 = arith.constant 4 : i32
      %add3A_372 = arith.addi %add3A_357, %add3A_371 : i32
      %sub3A_373 = arith.constant 6 : i32
      %sub3A_374 = arith.subi %add3A_372, %sub3A_373 : i32
      %mul3A_375 = arith.constant 128 : i32
      %mul3A_376 = arith.muli %sub3A_374, %mul3A_375 : i32
      %add3A_377 = arith.addi %mul3A_2, %mul3A_376 : i32
      %dma_wait3A_378 = arith.constant 0 : i32
      %dma_wait3A_379 = tpu.memref_slice %arg4[%add3A_377, %dma_wait3A_378] : memref<204800x128xf32, #tpu.memory_space<hbm>> -> memref<128x128xf32, #tpu.memory_space<hbm>>
      %dma_wait3A_380 = arith.constant 0 : i32
      %dma_wait3A_381 = tpu.memref_slice %arg4[%add3A_377, %dma_wait3A_380] : memref<204800x128xf32, #tpu.memory_space<hbm>> -> memref<128x128xf32, #tpu.memory_space<hbm>>
      tpu.wait_dma2 semaphore(%arg19 : memref<!tpu.dma_semaphore, #tpu.memory_space<semaphore_mem>>) src(%arg7 : memref<128x128xf32, #tpu.memory_space<vmem>>) dst(%dma_wait3A_381 : memref<128x128xf32, #tpu.memory_space<hbm>>)
      %add3A_382 = arith.constant 4 : i32
      %add3A_383 = arith.addi %add3A_357, %add3A_382 : i32
      %mul3A_384 = arith.constant 128 : i32
      %mul3A_385 = arith.muli %add3A_383, %mul3A_384 : i32
      %dma_start3A_386 = tpu.memref_slice %arg5[%mul3A_385] : memref<6400xi32, #tpu.memory_space<vmem>> -> memref<128xi32, #tpu.memory_space<vmem>>
      %dma_start3A_387 = arith.constant 0 : i32
      %dma_start3A_388 = arith.constant 0 : i32
      %dma_start3A_389 = tpu.memref_slice %arg3[%dma_start3A_387, %dma_start3A_388] : memref<100000x128xf32, #tpu.memory_space<hbm>> -> memref<100000x128xf32, #tpu.memory_space<hbm>>
      tpu.enqueue_indirect_dma source(%dma_start3A_389 : memref<100000x128xf32, #tpu.memory_space<hbm>>) target(%arg7 : memref<128x128xf32, #tpu.memory_space<vmem>>) offsets(%dma_start3A_386 : memref<128xi32, #tpu.memory_space<vmem>>) semaphore(%arg13 : memref<!tpu.dma_semaphore, #tpu.memory_space<semaphore_mem>>)
    }
    %scan3A_101 = arith.constant 7 : i32
    %dma_wait3A_102 = arith.constant 5888 : i32
    %dma_wait3A_103 = tpu.memref_slice %arg5[%dma_wait3A_102] : memref<6400xi32, #tpu.memory_space<vmem>> -> memref<128xi32, #tpu.memory_space<vmem>>
    %dma_wait3A_104 = arith.constant 0 : i32
    %dma_wait3A_105 = arith.constant 0 : i32
    %dma_wait3A_106 = tpu.memref_slice %arg3[%dma_wait3A_104, %dma_wait3A_105] : memref<100000x128xf32, #tpu.memory_space<hbm>> -> memref<100000x128xf32, #tpu.memory_space<hbm>>
    tpu.wait_indirect_dma semaphore(%arg16 : memref<!tpu.dma_semaphore, #tpu.memory_space<semaphore_mem>>) src(%dma_wait3A_106 : memref<100000x128xf32, #tpu.memory_space<hbm>>) dst(%arg10 : memref<128x128xf32, #tpu.memory_space<vmem>>)
    %add3A_107 = arith.constant 5888 : i32
    %add3A_108 = arith.addi %mul3A_2, %add3A_107 : i32
    %dma_start3A_109 = arith.constant 0 : i32
    %dma_start3A_110 = tpu.memref_slice %arg4[%add3A_108, %dma_start3A_109] : memref<204800x128xf32, #tpu.memory_space<hbm>> -> memref<128x128xf32, #tpu.memory_space<hbm>>
    %dma_start3A_111 = arith.constant 0 : i32
    %dma_start3A_112 = tpu.memref_slice %arg4[%add3A_108, %dma_start3A_111] : memref<204800x128xf32, #tpu.memory_space<hbm>> -> memref<128x128xf32, #tpu.memory_space<hbm>>
    tpu.enqueue_dma source(%arg10 : memref<128x128xf32, #tpu.memory_space<vmem>>) target(%dma_start3A_112 : memref<128x128xf32, #tpu.memory_space<hbm>>) target_semaphore(%arg22 : memref<!tpu.dma_semaphore, #tpu.memory_space<semaphore_mem>>)
    %dma_wait3A_113 = arith.constant 6016 : i32
    %dma_wait3A_114 = tpu.memref_slice %arg5[%dma_wait3A_113] : memref<6400xi32, #tpu.memory_space<vmem>> -> memref<128xi32, #tpu.memory_space<vmem>>
    %dma_wait3A_115 = arith.constant 0 : i32
    %dma_wait3A_116 = arith.constant 0 : i32
    %dma_wait3A_117 = tpu.memref_slice %arg3[%dma_wait3A_115, %dma_wait3A_116] : memref<100000x128xf32, #tpu.memory_space<hbm>> -> memref<100000x128xf32, #tpu.memory_space<hbm>>
    tpu.wait_indirect_dma semaphore(%arg17 : memref<!tpu.dma_semaphore, #tpu.memory_space<semaphore_mem>>) src(%dma_wait3A_117 : memref<100000x128xf32, #tpu.memory_space<hbm>>) dst(%arg11 : memref<128x128xf32, #tpu.memory_space<vmem>>)
    %add3A_118 = arith.constant 6016 : i32
    %add3A_119 = arith.addi %mul3A_2, %add3A_118 : i32
    %dma_start3A_120 = arith.constant 0 : i32
    %dma_start3A_121 = tpu.memref_slice %arg4[%add3A_119, %dma_start3A_120] : memref<204800x128xf32, #tpu.memory_space<hbm>> -> memref<128x128xf32, #tpu.memory_space<hbm>>
    %dma_start3A_122 = arith.constant 0 : i32
    %dma_start3A_123 = tpu.memref_slice %arg4[%add3A_119, %dma_start3A_122] : memref<204800x128xf32, #tpu.memory_space<hbm>> -> memref<128x128xf32, #tpu.memory_space<hbm>>
    tpu.enqueue_dma source(%arg11 : memref<128x128xf32, #tpu.memory_space<vmem>>) target(%dma_start3A_123 : memref<128x128xf32, #tpu.memory_space<hbm>>) target_semaphore(%arg23 : memref<!tpu.dma_semaphore, #tpu.memory_space<semaphore_mem>>)
    %dma_wait3A_124 = arith.constant 6144 : i32
    %dma_wait3A_125 = tpu.memref_slice %arg5[%dma_wait3A_124] : memref<6400xi32, #tpu.memory_space<vmem>> -> memref<128xi32, #tpu.memory_space<vmem>>
    %dma_wait3A_126 = arith.constant 0 : i32
    %dma_wait3A_127 = arith.constant 0 : i32
    %dma_wait3A_128 = tpu.memref_slice %arg3[%dma_wait3A_126, %dma_wait3A_127] : memref<100000x128xf32, #tpu.memory_space<hbm>> -> memref<100000x128xf32, #tpu.memory_space<hbm>>
    tpu.wait_indirect_dma semaphore(%arg12 : memref<!tpu.dma_semaphore, #tpu.memory_space<semaphore_mem>>) src(%dma_wait3A_128 : memref<100000x128xf32, #tpu.memory_space<hbm>>) dst(%arg6 : memref<128x128xf32, #tpu.memory_space<vmem>>)
    %add3A_129 = arith.constant 6144 : i32
    %add3A_130 = arith.addi %mul3A_2, %add3A_129 : i32
    %dma_start3A_131 = arith.constant 0 : i32
    %dma_start3A_132 = tpu.memref_slice %arg4[%add3A_130, %dma_start3A_131] : memref<204800x128xf32, #tpu.memory_space<hbm>> -> memref<128x128xf32, #tpu.memory_space<hbm>>
    %dma_start3A_133 = arith.constant 0 : i32
    %dma_start3A_134 = tpu.memref_slice %arg4[%add3A_130, %dma_start3A_133] : memref<204800x128xf32, #tpu.memory_space<hbm>> -> memref<128x128xf32, #tpu.memory_space<hbm>>
    tpu.enqueue_dma source(%arg6 : memref<128x128xf32, #tpu.memory_space<vmem>>) target(%dma_start3A_134 : memref<128x128xf32, #tpu.memory_space<hbm>>) target_semaphore(%arg18 : memref<!tpu.dma_semaphore, #tpu.memory_space<semaphore_mem>>)
    %dma_wait3A_135 = arith.constant 6272 : i32
    %dma_wait3A_136 = tpu.memref_slice %arg5[%dma_wait3A_135] : memref<6400xi32, #tpu.memory_space<vmem>> -> memref<128xi32, #tpu.memory_space<vmem>>
    %dma_wait3A_137 = arith.constant 0 : i32
    %dma_wait3A_138 = arith.constant 0 : i32
    %dma_wait3A_139 = tpu.memref_slice %arg3[%dma_wait3A_137, %dma_wait3A_138] : memref<100000x128xf32, #tpu.memory_space<hbm>> -> memref<100000x128xf32, #tpu.memory_space<hbm>>
    tpu.wait_indirect_dma semaphore(%arg13 : memref<!tpu.dma_semaphore, #tpu.memory_space<semaphore_mem>>) src(%dma_wait3A_139 : memref<100000x128xf32, #tpu.memory_space<hbm>>) dst(%arg7 : memref<128x128xf32, #tpu.memory_space<vmem>>)
    %add3A_140 = arith.constant 6272 : i32
    %add3A_141 = arith.addi %mul3A_2, %add3A_140 : i32
    %dma_start3A_142 = arith.constant 0 : i32
    %dma_start3A_143 = tpu.memref_slice %arg4[%add3A_141, %dma_start3A_142] : memref<204800x128xf32, #tpu.memory_space<hbm>> -> memref<128x128xf32, #tpu.memory_space<hbm>>
    %dma_start3A_144 = arith.constant 0 : i32
    %dma_start3A_145 = tpu.memref_slice %arg4[%add3A_141, %dma_start3A_144] : memref<204800x128xf32, #tpu.memory_space<hbm>> -> memref<128x128xf32, #tpu.memory_space<hbm>>
    tpu.enqueue_dma source(%arg7 : memref<128x128xf32, #tpu.memory_space<vmem>>) target(%dma_start3A_145 : memref<128x128xf32, #tpu.memory_space<hbm>>) target_semaphore(%arg19 : memref<!tpu.dma_semaphore, #tpu.memory_space<semaphore_mem>>)
    %add3A_146 = arith.constant 5632 : i32
    %add3A_147 = arith.addi %mul3A_2, %add3A_146 : i32
    %dma_wait3A_148 = arith.constant 0 : i32
    %dma_wait3A_149 = tpu.memref_slice %arg4[%add3A_147, %dma_wait3A_148] : memref<204800x128xf32, #tpu.memory_space<hbm>> -> memref<128x128xf32, #tpu.memory_space<hbm>>
    %dma_wait3A_150 = arith.constant 0 : i32
    %dma_wait3A_151 = tpu.memref_slice %arg4[%add3A_147, %dma_wait3A_150] : memref<204800x128xf32, #tpu.memory_space<hbm>> -> memref<128x128xf32, #tpu.memory_space<hbm>>
    tpu.wait_dma2 semaphore(%arg20 : memref<!tpu.dma_semaphore, #tpu.memory_space<semaphore_mem>>) src(%arg8 : memref<128x128xf32, #tpu.memory_space<vmem>>) dst(%dma_wait3A_151 : memref<128x128xf32, #tpu.memory_space<hbm>>)
    %add3A_152 = arith.constant 5760 : i32
    %add3A_153 = arith.addi %mul3A_2, %add3A_152 : i32
    %dma_wait3A_154 = arith.constant 0 : i32
    %dma_wait3A_155 = tpu.memref_slice %arg4[%add3A_153, %dma_wait3A_154] : memref<204800x128xf32, #tpu.memory_space<hbm>> -> memref<128x128xf32, #tpu.memory_space<hbm>>
    %dma_wait3A_156 = arith.constant 0 : i32
    %dma_wait3A_157 = tpu.memref_slice %arg4[%add3A_153, %dma_wait3A_156] : memref<204800x128xf32, #tpu.memory_space<hbm>> -> memref<128x128xf32, #tpu.memory_space<hbm>>
    tpu.wait_dma2 semaphore(%arg21 : memref<!tpu.dma_semaphore, #tpu.memory_space<semaphore_mem>>) src(%arg9 : memref<128x128xf32, #tpu.memory_space<vmem>>) dst(%dma_wait3A_157 : memref<128x128xf32, #tpu.memory_space<hbm>>)
    %add3A_158 = arith.constant 5888 : i32
    %add3A_159 = arith.addi %mul3A_2, %add3A_158 : i32
    %dma_wait3A_160 = arith.constant 0 : i32
    %dma_wait3A_161 = tpu.memref_slice %arg4[%add3A_159, %dma_wait3A_160] : memref<204800x128xf32, #tpu.memory_space<hbm>> -> memref<128x128xf32, #tpu.memory_space<hbm>>
    %dma_wait3A_162 = arith.constant 0 : i32
    %dma_wait3A_163 = tpu.memref_slice %arg4[%add3A_159, %dma_wait3A_162] : memref<204800x128xf32, #tpu.memory_space<hbm>> -> memref<128x128xf32, #tpu.memory_space<hbm>>
    tpu.wait_dma2 semaphore(%arg22 : memref<!tpu.dma_semaphore, #tpu.memory_space<semaphore_mem>>) src(%arg10 : memref<128x128xf32, #tpu.memory_space<vmem>>) dst(%dma_wait3A_163 : memref<128x128xf32, #tpu.memory_space<hbm>>)
    %add3A_164 = arith.constant 6016 : i32
    %add3A_165 = arith.addi %mul3A_2, %add3A_164 : i32
    %dma_wait3A_166 = arith.constant 0 : i32
    %dma_wait3A_167 = tpu.memref_slice %arg4[%add3A_165, %dma_wait3A_166] : memref<204800x128xf32, #tpu.memory_space<hbm>> -> memref<128x128xf32, #tpu.memory_space<hbm>>
    %dma_wait3A_168 = arith.constant 0 : i32
    %dma_wait3A_169 = tpu.memref_slice %arg4[%add3A_165, %dma_wait3A_168] : memref<204800x128xf32, #tpu.memory_space<hbm>> -> memref<128x128xf32, #tpu.memory_space<hbm>>
    tpu.wait_dma2 semaphore(%arg23 : memref<!tpu.dma_semaphore, #tpu.memory_space<semaphore_mem>>) src(%arg11 : memref<128x128xf32, #tpu.memory_space<vmem>>) dst(%dma_wait3A_169 : memref<128x128xf32, #tpu.memory_space<hbm>>)
    %add3A_170 = arith.constant 6144 : i32
    %add3A_171 = arith.addi %mul3A_2, %add3A_170 : i32
    %dma_wait3A_172 = arith.constant 0 : i32
    %dma_wait3A_173 = tpu.memref_slice %arg4[%add3A_171, %dma_wait3A_172] : memref<204800x128xf32, #tpu.memory_space<hbm>> -> memref<128x128xf32, #tpu.memory_space<hbm>>
    %dma_wait3A_174 = arith.constant 0 : i32
    %dma_wait3A_175 = tpu.memref_slice %arg4[%add3A_171, %dma_wait3A_174] : memref<204800x128xf32, #tpu.memory_space<hbm>> -> memref<128x128xf32, #tpu.memory_space<hbm>>
    tpu.wait_dma2 semaphore(%arg18 : memref<!tpu.dma_semaphore, #tpu.memory_space<semaphore_mem>>) src(%arg6 : memref<128x128xf32, #tpu.memory_space<vmem>>) dst(%dma_wait3A_175 : memref<128x128xf32, #tpu.memory_space<hbm>>)
    %add3A_176 = arith.constant 6272 : i32
    %add3A_177 = arith.addi %mul3A_2, %add3A_176 : i32
    %dma_wait3A_178 = arith.constant 0 : i32
    %dma_wait3A_179 = tpu.memref_slice %arg4[%add3A_177, %dma_wait3A_178] : memref<204800x128xf32, #tpu.memory_space<hbm>> -> memref<128x128xf32, #tpu.memory_space<hbm>>
    %dma_wait3A_180 = arith.constant 0 : i32
    %dma_wait3A_181 = tpu.memref_slice %arg4[%add3A_177, %dma_wait3A_180] : memref<204800x128xf32, #tpu.memory_space<hbm>> -> memref<128x128xf32, #tpu.memory_space<hbm>>
    tpu.wait_dma2 semaphore(%arg19 : memref<!tpu.dma_semaphore, #tpu.memory_space<semaphore_mem>>) src(%arg7 : memref<128x128xf32, #tpu.memory_space<vmem>>) dst(%dma_wait3A_181 : memref<128x128xf32, #tpu.memory_space<hbm>>)
    return
  }
}

</mosaic_0001>

<sc_bundles>
// kernel: kernel.3.cloned.1.call-start
scs
__scs_entry_jumppad:
0x0: {  	(pc) =	sbr.rel $0x88, $3  }
0x1: {  	(tag) =	ssettag $0x0;
	lr =	simm.s32 $0x1  }
0x2: {  	[smem:$0x3F9F] =	sst lr;
	_ =	strace $0xD0000000  }
0x3: {  	_ = 	snop  }
0x4: {  	_ = 	snop  }
0x5: {  	_ = 	snop  }
0x6: {  	_ = 	snop  }
0x7: {  	_ = 	snop  }
__scs_overlays_trampoline_lowered:
0x8: {  	[smem:$0x3FAE] =	sst s0  }
0x9: {  	[smem:$0x3FAF] =	sst s1  }
0xa: {  	[smem:$0x3FB0] =	sst s2  }
0xb: {  	[smem:$0x3FB1] =	sst s3  }
0xc: {  	[smem:$0x3FB2] =	sst s4  }
0xd: {  	[smem:$0x3FB3] =	sst s5  }
0xe: {  	[smem:$0x3FB4] =	sst s6  }
0xf: {  	[smem:$0x3FB5] =	sst s7  }
0x10: {  	[smem:$0x3FB6] =	sst s8  }
0x11: {  	[smem:$0x3FB7] =	sst s9;
	s0 =	simm.s32 @!p0 $0x0  }
0x12: {  	s1 =	sld [smem:$0x3F9D];
	s0 =	simm.s32 @p0 $0x1  }
0x13: {  	[smem:$0x3FB8] =	sst s0;
	s0 =	simm.s32 @!p1 $0x0  }
0x14: {  	s2 =	sld [smem:$0x3F9C];
	s0 =	simm.s32 @p1 $0x1  }
0x15: {  	[smem:$0x3FB9] =	sst s0;
	s0 =	simm.s32 @!p2 $0x0  }
0x16: {  	s3 =	sld [smem:$0x3FDB];
	s0 =	simm.s32 @p2 $0x1  }
0x17: {  	s4 =	simm.s32 $0x1BF5;
	[smem:$0x3FBB] =	sst s0  }
0x18: {  	s0 =	sld [smem:$0x3F9E];
	_ =	swait.ge [sflag:s4], $0x0  }
0x19: {  	s7 =	sld [smem:$0x3F9F]  }
0x1a: {  	s8 =	sadd.s32 $0xFFFFE003, lr  }
0x1b: {  	s9 =	sadd.s32 $0xFFFFFEF7, lr;
	s5 =	simm.s32 $0xFFFFFFFF;
	p2 =	slt.u32 s8, $0xFFFFF086  }
0x1c: {  	p1 =	slt.u32 s9, $0xF7A;
	s5 =	simm.s32 @!p2 $0x0  }
0x1d: {  	s5 =	simm.s32 @p1 $0x1;
	p0 =	seq.s32 s7, s2  }
0x1e: {  	s7 =	smul.u32 @!p0 $0xF7A, s2;
	p2 =	seq.s32 @!p0 s5, $0x0  }
0x1f: {  	s9 =	smul.u32 $0xF7A, s1;
	s8 =	simm.s32 @!p0 $0x1BF5;
	p2 =	por !p2, p0  }
0x20: {  	[sflag:s8] =	ssyncset.s32 @!p0 $0xFFFFF086;
	s6 =	sadd.s32 @!p0 s3, s7;
	s7 =	simm.s32 @!p0 $0x108  }
0x21: {  	s3 =	sadd.s32 s3, s9;
	s6 =	sadd.s32 @!p0 $0x88, s6;
	s7 =	simm.s32 @p2 $0x1082  }
0x22: {  	[simem:s7], [sflag:s8] =	dma.local @!p0 [hbm:s6], $0xF7A  }
0x23: {  	s9 =	sor.u32 $0xD0000000, s2;
	s6 =	simm.s32 $0x108;
	_ =	swait.ge @!p0 [sflag:s8], $0x0  }
0x24: {  	s3 =	sadd.s32 $0x88, s3;
	s6 =	simm.s32 @!p1 $0x1082;
	[sflag:s4] =	ssyncset.s32 $0xFFFFF086  }
0x25: {  	[simem:s6], [sflag:s4] =	dma.local [hbm:s3], $0xF7A  }
0x26: {  	[smem:$0x3F9F] =	sst s1;
	(tag) =	ssettag s2;
	_ =	strace s9  }
0x27: {  	s1 =	sld [smem:$0x3FAF]  }
0x28: {  	s2 =	sld [smem:$0x3FB0]  }
0x29: {  	s4 =	sld [smem:$0x3FB2]  }
0x2a: {  	p0 =	seq.s32 s5, $0x0;
	s5 =	sld [smem:$0x3FB3]  }
0x2b: {  	s6 =	sld [smem:$0x3FB4]  }
0x2c: {  	s7 =	sld [smem:$0x3FB5]  }
0x2d: {  	s3 =	simm.s32 $0x108;
	s8 =	sld [smem:$0x3FB6]  }
0x2e: {  	s3 =	simm.s32 @!p0 $0x1082;
	s9 =	sld [smem:$0x3FB7]  }
0x2f: {  	lr =	sadd.s32 s0, s3;
	s0 =	sld [smem:$0x3FAE]  }
0x30: {  	s3 =	sld [smem:$0x3FB1]  }
0x31: {  	[smem:$0x3FBA] =	sst s10  }
0x32: {  	s10 =	sld [smem:$0x3FB8];
	_ =	sdelay $0x3  }
0x33: {  	p0 =	seq.s32 s10, $0x1;
	s10 =	sld [smem:$0x3FBA];
	_ =	sdelay $0x3  }
0x34: {  	[smem:$0x3FBA] =	sst s10  }
0x35: {  	s10 =	sld [smem:$0x3FB9];
	_ =	sdelay $0x3  }
0x36: {  	p1 =	seq.s32 s10, $0x1;
	s10 =	sld [smem:$0x3FBA];
	_ =	sdelay $0x3  }
0x37: {  	[smem:$0x3FBA] =	sst s10  }
0x38: {  	s10 =	sld [smem:$0x3FBB]  }
0x39: {  	_ = 	snop;
	(pc) =	sbr.ind lr, $3  }
0x3a: {  	_ = 	snop  }
0x3b: {  	_ = 	snop  }
0x3c: {  	p2 =	seq.s32 s10, $0x1;
	s10 =	sld [smem:$0x3FBA]  }
0x3d: {  	_ =	shalt  }
0x3e: {  	_ =	shalt  }
0x3f: {  	_ =	shalt  }
0x40: {  	_ =	shalt  }
0x41: {  	_ =	shalt  }
0x42: {  	_ =	shalt  }
0x43: {  	_ =	shalt  }
0x44: {  	_ =	shalt  }
0x45: {  	_ =	shalt  }
0x46: {  	_ =	shalt  }
0x47: {  	_ =	shalt  }
0x48: {  	_ =	shalt  }
0x49: {  	_ =	shalt  }
0x4a: {  	_ =	shalt  }
0x4b: {  	_ =	shalt  }
0x4c: {  	_ =	shalt  }
0x4d: {  	_ =	shalt  }
0x4e: {  	_ =	shalt  }
0x4f: {  	_ =	shalt  }
0x50: {  	_ =	shalt  }
0x51: {  	_ =	shalt  }
0x52: {  	_ =	shalt  }
0x53: {  	_ =	shalt  }
0x54: {  	_ =	shalt  }
0x55: {  	_ =	shalt  }
0x56: {  	_ =	shalt  }
0x57: {  	_ =	shalt  }
0x58: {  	_ =	shalt  }
0x59: {  	_ =	shalt  }
0x5a: {  	_ =	shalt  }
0x5b: {  	_ =	shalt  }
0x5c: {  	_ =	shalt  }
0x5d: {  	_ =	shalt  }
0x5e: {  	_ =	shalt  }
0x5f: {  	_ =	shalt  }
0x60: {  	_ =	shalt  }
0x61: {  	_ =	shalt  }
0x62: {  	_ =	shalt  }
0x63: {  	_ =	shalt  }
0x64: {  	_ =	shalt  }
0x65: {  	_ =	shalt  }
0x66: {  	_ =	shalt  }
0x67: {  	_ =	shalt  }
0x68: {  	_ =	shalt  }
0x69: {  	_ =	shalt  }
0x6a: {  	_ =	shalt  }
0x6b: {  	_ =	shalt  }
0x6c: {  	_ =	shalt  }
0x6d: {  	_ =	shalt  }
0x6e: {  	_ =	shalt  }
0x6f: {  	_ =	shalt  }
0x70: {  	_ =	shalt  }
0x71: {  	_ =	shalt  }
0x72: {  	_ =	shalt  }
0x73: {  	_ =	shalt  }
0x74: {  	_ =	shalt  }
0x75: {  	_ =	shalt  }
0x76: {  	_ =	shalt  }
0x77: {  	_ =	shalt  }
0x78: {  	_ =	shalt  }
0x79: {  	_ =	shalt  }
0x7a: {  	_ =	shalt  }
0x7b: {  	_ =	shalt  }
0x7c: {  	_ =	shalt  }
0x7d: {  	_ =	shalt  }
0x7e: {  	_ =	shalt  }
0x7f: {  	_ =	shalt  }
0x80: {  	_ =	shalt  }
0x81: {  	_ =	shalt  }
0x82: {  	_ =	shalt  }
0x83: {  	_ =	shalt  }
0x84: {  	_ =	shalt  }
0x85: {  	_ =	shalt  }
0x86: {  	_ =	shalt  }
0x87: {  	_ =	shalt  }
.Lfunc_end0:
.L_simem_size_0:
called_computation_lowered:
.L_overlay_start_0:
0x88: {  	s2 =	sld [smem:$0x3FD9]  }
0x89: {  	s3 =	sld [smem:$0x3FFE];
	_ =	sdelay $0x1  }
0x8a: {  	s1 =	srdreg.scid  }
0x8b: {  	s0 =	sand.u32 $0x1, s1  }
0x8c: {  	s17 =	sshll.u32 s0, $0xA;
	s2 =	sadd.s32 s3, s2  }
0x8d: {  	s2 =	sadd.s32 s2, s17  }
0x8e: {  	[smem:$0x3FC6] =	sst s2  }
0x8f: {  	_ = 	snop  }
0x90: {  	s2 =	sld [smem:$0x3FC8]  }
0x91: {  	s18 =	sld [smem:$0x3FD0];
	(tm) =	ssettm $0x1  }
0x92: {  	s4 =	sld [smem:$0x3FFB];
	_ =	sdelay $0x3  }
0x93: {  	_ =	strace s4  }
0x94: {  	s4 =	sld [smem:$0x3FFC];
	_ =	sdelay $0x3  }
0x95: {  	_ =	strace s4  }
0x96: {  	s4 =	sld [smem:$0x3FFD];
	_ =	sdelay $0x3  }
0x97: {  	_ =	strace s4  }
0x98: {  	_ =	strace $0x8FFFFFFF  }
0x99: {  	s19 =	sld [smem:$0x3FDB];
	_ =	sdelay $0x1  }
0x9a: {  	s5 =	simm.s32 $_scs_section_size  }
0x9b: {  	s6 =	simm.s32 $_size__tile_overlayer_lowered;
	s7 =	simm.s32 $_tile_overlayer_lowered  }
0x9c: {  	s22 =	simm.s32 $0x1BFF;
	s21 =	sshll.u32 s7, $0x1;
	s4 =	sadd.s32 s5, s19  }
0x9d: {  	s8 =	simm.s32 $0x0;
	s20 =	sshll.u32 s6, $0x1;
	s6 =	sadd.s32 s21, s4  }
0x9e: {  	[timem:s8], [sflag:s22] =	dma.local [hbm:s6], s20  }
0x9f: {  	_ =	swait.ge [sflag:s22], s20  }
0xa0: {  	s5 =	ssub.s32 $0x0, s20;
	[sflag:s22] =	ssyncset.done $0x0  }
0xa1: {  	[sflag:s22] =	ssyncadd.s32 s5;
	_ =	sdelay $0x1  }
0xa2: {  	s23 =	simm.s32 $0x1B8B  }
0xa3: {  	_ =	swait.ge [sflag:s23], $0x1  }
0xa4: {  	[sflag:s23] =	ssyncset.done $0x0  }
0xa5: {  	s25 =	simm.s32 $0x1B8E;
	s24 =	sld [smem:$0x3FFE];
	[sflag:s23] =	ssyncadd.s32 $0xFFFFFFFF  }
0xa6: {  	s26 =	simm.s32 $execute0_lowered;
	[smem:$0x3FD2] =	sst s25  }
0xa7: {  	s6 =	sshll.u32 s26, $0x1;
	_ =	strace $0x80000046;
	[dreg:$0x1] =	wrdreg $0xFFFFFFFF  }
0xa8: {  	s28 =	simm.s32 $_size_execute0_lowered;
	s4 =	sadd.s32 s4, s6;
	[dreg:$0x0] =	wrdreg $0x0  }
0xa9: {  	s6 =	sshll.u32 s28, $0x1;
	[dreg:$0x2] =	wrdreg s4  }
0xaa: {  	[dreg:$0x3] =	wrdreg s6  }
0xab: {  	[dreg:$0x4] =	wrdreg $0xC0  }
0xac: {  	_ =	task [dreg:s8], $0x5FFFF  }
0xad: {  	[dreg:$0x1] =	wrdreg $0xFFFFFFFF  }
0xae: {  	[dreg:$0x0] =	wrdreg $0x60  }
0xaf: {  	[dreg:$0x2] =	wrdreg s24  }
0xb0: {  	[dreg:$0x3] =	wrdreg s2  }
0xb1: {  	[dreg:$0x4] =	wrdreg s18  }
0xb2: {  	[dreg:$0x5] =	wrdreg $0x9  }
0xb3: {  	_ =	task.clear_ibuf [dreg:s8], $0x6FFFF;
	_ =	strace $0x90000046  }
0xb4: {  	s29 =	simm.s32 $0x9;
	_ =	strace $0x80000048  }
0xb5: {  	_ =	swait.ge [sflag:s29], $0x1  }
0xb6: {  	[sflag:s29] =	ssyncadd.s32 $0xFFFFFFFF  }
0xb7: {  	_ =	strace $0x90000048  }
0xb8: {  	_ =	sfence  }
0xb9: {  	s30 =	sld [smem:$0x0];
	_ =	sdelay $0x2  }
0xba: {  	s31 =	sshll.u32 s1, $0xD;
	s1 =	sshrl.u32 s1, $0x2  }
0xbb: {  	s3 =	sand.u32 $0x4000, s31;
	s1 =	sadd.s32 s1, s30  }
0xbc: {  	s0 =	sor.u32 s3, s0;
	s1 =	sshll.u32 s1, $0x11  }
0xbd: {  	s0 =	sor.u32 s1, s0  }
0xbe: {  	s0 =	sadd.s32 $0x8F2B, s0  }
0xbf: {  	[sflag:s0] =	ssyncadd.remote.s32 $0x1  }
0xc0: {  	_ =	sfence.sel $0xFFFF  }
0xc1: {  	[dreg:$0x0] =	wrdreg $0xFFFFFFFF;
	(pc) =	sbr.abs _section_cstart, $3  }
0xc2: {  	[dreg:$0x1] =	wrdreg $0xFFFFFFFF  }
0xc3: {  	_ =	task.clear_ibuf [dreg:s8], $0x2FFFF;
	_ =	strace $0x9FFFFFFF  }
0xc4: {  	(tm) =	ssettm $0x7FFFFFFF  }
0xc5: {  	_ =	shalt  }
tec
execute0_lowered:
.L_overlay_start_1:
0x0: {  	(tag) =	ssettag $0x1  }
0x1: {  	s0 =	rddreg [dreg:$0x0]  }
0x2: {  	s2 =	rddreg [dreg:$0x1]  }
0x3: {  	s1 =	srdreg.scid;
	s9 =	stileid.u32  }
0x4: {  	s4 =	rddreg [dreg:$0x2];
	s3 =	simm.s32 $0x0;
	s15 =	simm.s32 $0xD  }
0x5: {  	s16 =	simm.s32 $0x80;
	s17 =	simm.s32 $0x1900;
	s18 =	simm.s32 $0x5900  }
0x6: {  	s29 =	simm.s32 $0x15900;
	s1 =	sand.u32 $0x1, s1;
	s5 =	sshll.u32 s9, $0x1  }
0x7: {  	s30 =	simm.s32 $0x3;
	s22 =	smul.u32 $0x32000, s9;
	s5 =	sor.u32 s1, s5  }
0x8: {  	s31 =	simm.s32 $0x7;
	s19 =	simm.s32 $0x8;
	s6 =	smul.u32 $0x1900, s5  }
0x9: {  	s28 =	simm.s32 $0x9;
	[smem:$0x7FF] =	sst s3;
	s8 =	smul.u32 $0xC8000, s5  }
0xa: {  	_ =	strace $0x80000047;
	s7 =	ssub.s32 $0x2, s1;
	s5 =	smul.u32 $0x19000, s5  }
0xb: {  	s1 =	smul.u32 $0x19000, s1;
	s20 =	sshrl.u32 s7, $0x1;
	s6 =	sshrl.u32 s6, $0x3  }
0xc: {  	s21 =	sshrl.u32 s8, $0x3;
	s5 =	sadd.s32 s4, s5;
	s0 =	sadd.s32 s6, s0  }
0xd: {  	s6 =	ssub.s32 s7, s20;
	[dreg:$0x5] =	wrdreg s5;
	s5 =	sadd.s32 $0x800, s5  }
0xe: {  	s20 =	simm.s32 $0x9900;
	s7 =	simm.s32 $0x0;
	s0 =	sadd.s32 $0x400, s0  }
0xf: {  	[dreg:$0x6] =	wrdreg s5;
	s13 =	smax.u32 s6, $0x1;
	s6 =	simm.s32 $0xC  }
0x10: {  	[dreg:$0x4] =	wrdreg s0;
	s0 =	sadd.s32 s4, s21;
	s4 =	sadd.s32 s22, s4  }
0x11: {  	s22 =	simm.s32 $0xD900;
	s21 =	simm.s32 $0xA;
	s23 =	sadd.s32 $0x1000, s0  }
0x12: {  	s24 =	sadd.s32 $0x1800, s0;
	s25 =	sadd.s32 $0x17000, s0;
	[dreg:$0x7] =	wrdreg s23  }
0x13: {  	s26 =	sadd.s32 $0x17800, s0;
	s11 =	sadd.s32 $0x18000, s0;
	[dreg:$0x8] =	wrdreg s24  }
0x14: {  	s1 =	sadd.s32 s1, s4;
	s12 =	sadd.s32 $0x18800, s0;
	[dreg:$0x9] =	wrdreg s25  }
0x15: {  	s0 =	simm.s32 $0x4;
	s4 =	simm.s32 $0xB;
	[dreg:$0xa] =	wrdreg s26  }
0x16: {  	s14 =	sadd.s32 $0x2800, s1;
	s23 =	simm.s32 $0x1;
	s25 =	simm.s32 $0x11900  }
0x17: {  	s26 =	simm.s32 $0x2;
	s24 =	simm.s32 $0x5;
	s1 =	simm.s32 $0x6  }
.LBB2_1:
0x18: {  	s5 =	rddreg [dreg:$0x4]  }
0x19: {  	[tilespmem:s3], [sflag:$0xD] =	stream.linear.gather [hbm4b:s5+s3], $0x1900, $0x38;
	[tilespmem:$0x19900] =	vst v63  }
0x1a: {  	_ =	swait.ge [sflag:s15], $0x1900  }
0x1b: {  	[sflag:s15] =	ssyncset.done $0x0  }
0x1c: {  	[sflag:s15] =	ssyncadd.s32 $0xFFFFE700  }
0x1d: {  	[tilespmem:s17], [sflag:$0x1] =	stream.indirect.gather [hbm4b:s2+s16], $0x80, s3, s16, $0xb8;
	[tilespmem:$0x19900] =	vst v63  }
0x1e: {  	_ = 	snop  }
0x1f: {  	[tilespmem:s18], [sflag:$0x2] =	stream.indirect.gather [hbm4b:s2+s16], $0x80, s16, s16, $0xb8;
	[tilespmem:$0x19900] =	vst v63  }
0x20: {  	s10 =	simm.s32 $0x100  }
0x21: {  	[tilespmem:s20], [sflag:$0x3] =	stream.indirect.gather [hbm4b:s2+s16], $0x80, s10, s16, $0xb8;
	[tilespmem:$0x19900] =	vst v63  }
0x22: {  	s8 =	simm.s32 $0x180  }
0x23: {  	[tilespmem:s22], [sflag:$0x4] =	stream.indirect.gather [hbm4b:s2+s16], $0x80, s8, s16, $0xb8;
	[tilespmem:$0x19900] =	vst v63  }
0x24: {  	_ =	swait.ge [sflag:s23], $0x4000  }
0x25: {  	[sflag:s23] =	ssyncset.done $0x0  }
0x26: {  	s9 =	rddreg [dreg:$0x5];
	[sflag:s23] =	ssyncadd.s32 $0xFFFFC000  }
0x27: {  	[hbm4b:s9+s3] =	stream.linear.scatter [tilespmem:s17], [sflag:$0x7], $0x4000, $0x38;
	[tilespmem:$0x19900] =	vst v63  }
0x28: {  	s10 =	simm.s32 $0x200  }
0x29: {  	[tilespmem:s25], [sflag:$0x5] =	stream.indirect.gather [hbm4b:s2+s16], $0x80, s10, s16, $0xb8;
	[tilespmem:$0x19900] =	vst v63  }
0x2a: {  	_ =	swait.ge [sflag:s26], $0x4000  }
0x2b: {  	[sflag:s26] =	ssyncset.done $0x0  }
0x2c: {  	s8 =	rddreg [dreg:$0x6];
	[sflag:s26] =	ssyncadd.s32 $0xFFFFC000  }
0x2d: {  	[hbm4b:s8+s3] =	stream.linear.scatter [tilespmem:s18], [sflag:$0x8], $0x4000, $0x38;
	[tilespmem:$0x19900] =	vst v63  }
0x2e: {  	s9 =	simm.s32 $0x280  }
0x2f: {  	[tilespmem:s29], [sflag:$0x6] =	stream.indirect.gather [hbm4b:s2+s16], $0x80, s9, s16, $0xb8;
	[tilespmem:$0x19900] =	vst v63  }
0x30: {  	_ =	swait.ge [sflag:s30], $0x4000  }
0x31: {  	[sflag:s30] =	ssyncset.done $0x0  }
0x32: {  	s10 =	rddreg [dreg:$0x7];
	[sflag:s30] =	ssyncadd.s32 $0xFFFFC000  }
0x33: {  	[hbm4b:s10+s3] =	stream.linear.scatter [tilespmem:s20], [sflag:$0x9], $0x4000, $0x38;
	[tilespmem:$0x19900] =	vst v63  }
0x34: {  	_ =	swait.ge [sflag:s31], $0x4000  }
0x35: {  	[sflag:s31] =	ssyncset.done $0x0  }
0x36: {  	s8 =	simm.s32 $0x300;
	[sflag:s31] =	ssyncadd.s32 $0xFFFFC000  }
0x37: {  	[tilespmem:s17], [sflag:$0x1] =	stream.indirect.gather [hbm4b:s2+s16], $0x80, s8, s16, $0xb8;
	[tilespmem:$0x19900] =	vst v63  }
0x38: {  	_ =	swait.ge [sflag:s0], $0x4000  }
0x39: {  	[sflag:s0] =	ssyncset.done $0x0  }
0x3a: {  	s9 =	rddreg [dreg:$0x8];
	[sflag:s0] =	ssyncadd.s32 $0xFFFFC000  }
0x3b: {  	[hbm4b:s9+s3] =	stream.linear.scatter [tilespmem:s22], [sflag:$0xA], $0x4000, $0x38;
	[tilespmem:$0x19900] =	vst v63  }
0x3c: {  	_ =	swait.ge [sflag:s19], $0x4000  }
0x3d: {  	[sflag:s19] =	ssyncset.done $0x0  }
0x3e: {  	s10 =	simm.s32 $0x380;
	[sflag:s19] =	ssyncadd.s32 $0xFFFFC000  }
0x3f: {  	[tilespmem:s18], [sflag:$0x2] =	stream.indirect.gather [hbm4b:s2+s16], $0x80, s10, s16, $0xb8;
	[tilespmem:$0x19900] =	vst v63  }
0x40: {  	_ =	swait.ge [sflag:s24], $0x4000  }
0x41: {  	[sflag:s24] =	ssyncset.done $0x0  }
0x42: {  	s8 =	sadd.s32 $0xFFFFF800, s14;
	[sflag:s24] =	ssyncadd.s32 $0xFFFFC000  }
0x43: {  	[hbm4b:s8+s3] =	stream.linear.scatter [tilespmem:s25], [sflag:$0xB], $0x4000, $0x38;
	[tilespmem:$0x19900] =	vst v63  }
0x44: {  	_ =	swait.ge [sflag:s28], $0x4000  }
0x45: {  	[sflag:s28] =	ssyncset.done $0x0  }
0x46: {  	s5 =	simm.s32 $0x400;
	[sflag:s28] =	ssyncadd.s32 $0xFFFFC000  }
0x47: {  	[tilespmem:s20], [sflag:$0x3] =	stream.indirect.gather [hbm4b:s2+s16], $0x80, s5, s16, $0xb8;
	[tilespmem:$0x19900] =	vst v63  }
0x48: {  	_ =	swait.ge [sflag:s1], $0x4000  }
0x49: {  	[sflag:s1] =	ssyncset.done $0x0  }
0x4a: {  	[sflag:s1] =	ssyncadd.s32 $0xFFFFC000  }
0x4b: {  	[hbm4b:s14+s3] =	stream.linear.scatter [tilespmem:s29], [sflag:$0xC], $0x4000, $0x38;
	[tilespmem:$0x19900] =	vst v63  }
0x4c: {  	_ =	swait.ge [sflag:s21], $0x4000  }
0x4d: {  	[sflag:s21] =	ssyncset.done $0x0  }
0x4e: {  	s9 =	simm.s32 $0x480;
	[sflag:s21] =	ssyncadd.s32 $0xFFFFC000  }
0x4f: {  	[tilespmem:s22], [sflag:$0x4] =	stream.indirect.gather [hbm4b:s2+s16], $0x80, s9, s16, $0xb8;
	[tilespmem:$0x19900] =	vst v63  }
0x50: {  	_ =	swait.ge [sflag:s23], $0x4000  }
0x51: {  	[sflag:s23] =	ssyncset.done $0x0  }
0x52: {  	s10 =	sadd.s32 $0x800, s14;
	[sflag:s23] =	ssyncadd.s32 $0xFFFFC000  }
0x53: {  	[hbm4b:s10+s3] =	stream.linear.scatter [tilespmem:s17], [sflag:$0x7], $0x4000, $0x38;
	[tilespmem:$0x19900] =	vst v63  }
0x54: {  	_ =	swait.ge [sflag:s4], $0x4000  }
0x55: {  	[sflag:s4] =	ssyncset.done $0x0  }
0x56: {  	s5 =	simm.s32 $0x500;
	[sflag:s4] =	ssyncadd.s32 $0xFFFFC000  }
0x57: {  	[tilespmem:s25], [sflag:$0x5] =	stream.indirect.gather [hbm4b:s2+s16], $0x80, s5, s16, $0xb8;
	[tilespmem:$0x19900] =	vst v63  }
0x58: {  	_ =	swait.ge [sflag:s26], $0x4000  }
0x59: {  	[sflag:s26] =	ssyncset.done $0x0  }
0x5a: {  	s9 =	sadd.s32 $0x1000, s14;
	[sflag:s26] =	ssyncadd.s32 $0xFFFFC000  }
0x5b: {  	[hbm4b:s9+s3] =	stream.linear.scatter [tilespmem:s18], [sflag:$0x8], $0x4000, $0x38;
	[tilespmem:$0x19900] =	vst v63  }
0x5c: {  	_ =	swait.ge [sflag:s6], $0x4000  }
0x5d: {  	[sflag:s6] =	ssyncset.done $0x0  }
0x5e: {  	s10 =	simm.s32 $0x580;
	[sflag:s6] =	ssyncadd.s32 $0xFFFFC000  }
0x5f: {  	[tilespmem:s29], [sflag:$0x6] =	stream.indirect.gather [hbm4b:s2+s16], $0x80, s10, s16, $0xb8;
	[tilespmem:$0x19900] =	vst v63  }
0x60: {  	_ =	swait.ge [sflag:s30], $0x4000  }
0x61: {  	[sflag:s30] =	ssyncset.done $0x0  }
0x62: {  	s5 =	sadd.s32 $0x1800, s14;
	[sflag:s30] =	ssyncadd.s32 $0xFFFFC000  }
0x63: {  	[hbm4b:s5+s3] =	stream.linear.scatter [tilespmem:s20], [sflag:$0x9], $0x4000, $0x38;
	[tilespmem:$0x19900] =	vst v63  }
0x64: {  	_ =	swait.ge [sflag:s31], $0x4000  }
0x65: {  	[sflag:s31] =	ssyncset.done $0x0  }
0x66: {  	s9 =	simm.s32 $0x600;
	[sflag:s31] =	ssyncadd.s32 $0xFFFFC000  }
0x67: {  	[tilespmem:s17], [sflag:$0x1] =	stream.indirect.gather [hbm4b:s2+s16], $0x80, s9, s16, $0xb8;
	[tilespmem:$0x19900] =	vst v63  }
0x68: {  	_ =	swait.ge [sflag:s0], $0x4000  }
0x69: {  	[sflag:s0] =	ssyncset.done $0x0  }
0x6a: {  	s10 =	sadd.s32 $0x2000, s14;
	[sflag:s0] =	ssyncadd.s32 $0xFFFFC000  }
0x6b: {  	[hbm4b:s10+s3] =	stream.linear.scatter [tilespmem:s22], [sflag:$0xA], $0x4000, $0x38;
	[tilespmem:$0x19900] =	vst v63  }
0x6c: {  	_ =	swait.ge [sflag:s19], $0x4000  }
0x6d: {  	s8 =	simm.s32 $0xC00;
	[sflag:s19] =	ssyncset.done $0x0  }
0x6e: {  	s9 =	sadd.s32 $0x3000, s14;
	s10 =	simm.s32 $0x680;
	[sflag:s19] =	ssyncadd.s32 $0xFFFFC000  }
.LBB2_2:
0x6f: {  	[tilespmem:s18], [sflag:$0x2] =	stream.indirect.gather [hbm4b:s2+s16], $0x80, s10, s16, $0xb8;
	[tilespmem:$0x19900] =	vst v63  }
0x70: {  	s10 =	smov.u32 s8  }
0x71: {  	p0 =	sne.s32 s8, $0x4800;
	s8 =	sadd.s32 $0xC00, s8;
	_ =	swait.ge [sflag:s24], $0x4000  }
0x72: {  	[sflag:s24] =	ssyncset.done $0x0  }
0x73: {  	s5 =	sadd.s32 $0xFFFFF800, s9;
	[sflag:s24] =	ssyncadd.s32 $0xFFFFC000  }
0x74: {  	[hbm4b:s5+s3] =	stream.linear.scatter [tilespmem:s25], [sflag:$0xB], $0x4000, $0x38;
	[tilespmem:$0x19900] =	vst v63  }
0x75: {  	_ =	swait.ge [sflag:s28], $0x4000  }
0x76: {  	s10 =	sshra.s32 s10, $0x2;
	[sflag:s28] =	ssyncset.done $0x0  }
0x77: {  	s5 =	sadd.s32 $0x400, s10;
	[sflag:s28] =	ssyncadd.s32 $0xFFFFC000  }
0x78: {  	[tilespmem:s20], [sflag:$0x3] =	stream.indirect.gather [hbm4b:s2+s16], $0x80, s5, s16, $0xb8;
	[tilespmem:$0x19900] =	vst v63  }
0x79: {  	_ =	swait.ge [sflag:s1], $0x4000  }
0x7a: {  	[sflag:s1] =	ssyncset.done $0x0  }
0x7b: {  	[sflag:s1] =	ssyncadd.s32 $0xFFFFC000  }
0x7c: {  	[hbm4b:s9+s3] =	stream.linear.scatter [tilespmem:s29], [sflag:$0xC], $0x4000, $0x38;
	[tilespmem:$0x19900] =	vst v63  }
0x7d: {  	_ =	swait.ge [sflag:s21], $0x4000  }
0x7e: {  	[sflag:s21] =	ssyncset.done $0x0  }
0x7f: {  	s5 =	sadd.s32 $0x480, s10;
	[sflag:s21] =	ssyncadd.s32 $0xFFFFC000  }
0x80: {  	[tilespmem:s22], [sflag:$0x4] =	stream.indirect.gather [hbm4b:s2+s16], $0x80, s5, s16, $0xb8;
	[tilespmem:$0x19900] =	vst v63  }
0x81: {  	_ =	swait.ge [sflag:s23], $0x4000  }
0x82: {  	[sflag:s23] =	ssyncset.done $0x0  }
0x83: {  	s5 =	sadd.s32 $0x800, s9;
	[sflag:s23] =	ssyncadd.s32 $0xFFFFC000  }
0x84: {  	[hbm4b:s5+s3] =	stream.linear.scatter [tilespmem:s17], [sflag:$0x7], $0x4000, $0x38;
	[tilespmem:$0x19900] =	vst v63  }
0x85: {  	_ =	swait.ge [sflag:s4], $0x4000  }
0x86: {  	[sflag:s4] =	ssyncset.done $0x0  }
0x87: {  	s5 =	sadd.s32 $0x500, s10;
	[sflag:s4] =	ssyncadd.s32 $0xFFFFC000  }
0x88: {  	[tilespmem:s25], [sflag:$0x5] =	stream.indirect.gather [hbm4b:s2+s16], $0x80, s5, s16, $0xb8;
	[tilespmem:$0x19900] =	vst v63  }
0x89: {  	_ =	swait.ge [sflag:s26], $0x4000  }
0x8a: {  	[sflag:s26] =	ssyncset.done $0x0  }
0x8b: {  	s5 =	sadd.s32 $0x1000, s9;
	[sflag:s26] =	ssyncadd.s32 $0xFFFFC000  }
0x8c: {  	[hbm4b:s5+s3] =	stream.linear.scatter [tilespmem:s18], [sflag:$0x8], $0x4000, $0x38;
	[tilespmem:$0x19900] =	vst v63  }
0x8d: {  	_ =	swait.ge [sflag:s6], $0x4000  }
0x8e: {  	[sflag:s6] =	ssyncset.done $0x0  }
0x8f: {  	s5 =	sadd.s32 $0x580, s10;
	[sflag:s6] =	ssyncadd.s32 $0xFFFFC000  }
0x90: {  	[tilespmem:s29], [sflag:$0x6] =	stream.indirect.gather [hbm4b:s2+s16], $0x80, s5, s16, $0xb8;
	[tilespmem:$0x19900] =	vst v63  }
0x91: {  	_ =	swait.ge [sflag:s30], $0x4000  }
0x92: {  	[sflag:s30] =	ssyncset.done $0x0  }
0x93: {  	s5 =	sadd.s32 $0x1800, s9;
	[sflag:s30] =	ssyncadd.s32 $0xFFFFC000  }
0x94: {  	[hbm4b:s5+s3] =	stream.linear.scatter [tilespmem:s20], [sflag:$0x9], $0x4000, $0x38;
	[tilespmem:$0x19900] =	vst v63  }
0x95: {  	_ =	swait.ge [sflag:s31], $0x4000  }
0x96: {  	[sflag:s31] =	ssyncset.done $0x0  }
0x97: {  	s5 =	sadd.s32 $0x600, s10;
	[sflag:s31] =	ssyncadd.s32 $0xFFFFC000  }
0x98: {  	[tilespmem:s17], [sflag:$0x1] =	stream.indirect.gather [hbm4b:s2+s16], $0x80, s5, s16, $0xb8;
	[tilespmem:$0x19900] =	vst v63  }
0x99: {  	_ =	swait.ge [sflag:s0], $0x4000  }
0x9a: {  	[sflag:s0] =	ssyncset.done $0x0  }
.Ltmp0:
0x9b: {  	s5 =	sadd.s32 $0x2000, s9;
	[sflag:s0] =	ssyncadd.s32 $0xFFFFC000;
	(pc) =	sbr.rel @p0 .LBB2_2-.Ltmp0, $4  }
0x9c: {  	[hbm4b:s5+s3] =	stream.linear.scatter [tilespmem:s22], [sflag:$0xA], $0x4000, $0x38;
	[tilespmem:$0x19900] =	vst v63  }
0x9d: {  	_ =	swait.ge [sflag:s19], $0x4000  }
0x9e: {  	[sflag:s19] =	ssyncset.done $0x0  }
0x9f: {  	s10 =	sadd.s32 $0x680, s10;
	s9 =	sadd.s32 $0x3000, s9;
	[sflag:s19] =	ssyncadd.s32 $0xFFFFC000  }
0xa0: {  	[tilespmem:s18], [sflag:$0x2] =	stream.indirect.gather [hbm4b:s2+s16], $0x80, s10, s16, $0xb8;
	[tilespmem:$0x19900] =	vst v63  }
0xa1: {  	_ =	swait.ge [sflag:s24], $0x4000  }
0xa2: {  	[sflag:s24] =	ssyncset.done $0x0  }
0xa3: {  	s5 =	rddreg [dreg:$0x9];
	[sflag:s24] =	ssyncadd.s32 $0xFFFFC000  }
0xa4: {  	[hbm4b:s5+s3] =	stream.linear.scatter [tilespmem:s25], [sflag:$0xB], $0x4000, $0x38;
	[tilespmem:$0x19900] =	vst v63  }
0xa5: {  	_ =	swait.ge [sflag:s1], $0x4000  }
0xa6: {  	[sflag:s1] =	ssyncset.done $0x0  }
0xa7: {  	s10 =	rddreg [dreg:$0xa];
	[sflag:s1] =	ssyncadd.s32 $0xFFFFC000  }
0xa8: {  	[hbm4b:s10+s3] =	stream.linear.scatter [tilespmem:s29], [sflag:$0xC], $0x4000, $0x38;
	[tilespmem:$0x19900] =	vst v63  }
0xa9: {  	_ =	swait.ge [sflag:s23], $0x4000  }
0xaa: {  	[sflag:s23] =	ssyncset.done $0x0  }
0xab: {  	[sflag:s23] =	ssyncadd.s32 $0xFFFFC000  }
0xac: {  	[hbm4b:s11+s3] =	stream.linear.scatter [tilespmem:s17], [sflag:$0x7], $0x4000, $0x38;
	[tilespmem:$0x19900] =	vst v63  }
0xad: {  	_ =	swait.ge [sflag:s26], $0x4000  }
0xae: {  	[sflag:s26] =	ssyncset.done $0x0  }
0xaf: {  	[sflag:s26] =	ssyncadd.s32 $0xFFFFC000  }
0xb0: {  	[hbm4b:s12+s3] =	stream.linear.scatter [tilespmem:s18], [sflag:$0x8], $0x4000, $0x38;
	[tilespmem:$0x19900] =	vst v63  }
0xb1: {  	_ =	swait.ge [sflag:s28], $0x4000  }
0xb2: {  	[sflag:s28] =	ssyncset.done $0x0  }
0xb3: {  	[sflag:s28] =	ssyncadd.s32 $0xFFFFC000  }
0xb4: {  	_ =	swait.ge [sflag:s21], $0x4000  }
0xb5: {  	[sflag:s21] =	ssyncset.done $0x0  }
0xb6: {  	[sflag:s21] =	ssyncadd.s32 $0xFFFFC000  }
0xb7: {  	_ =	swait.ge [sflag:s4], $0x4000  }
0xb8: {  	[sflag:s4] =	ssyncset.done $0x0  }
0xb9: {  	[sflag:s4] =	ssyncadd.s32 $0xFFFFC000  }
0xba: {  	_ =	swait.ge [sflag:s6], $0x4000  }
0xbb: {  	[sflag:s6] =	ssyncset.done $0x0  }
0xbc: {  	s7 =	sadd.s32 $0x1, s7;
	[sflag:s6] =	ssyncadd.s32 $0xFFFFC000  }
0xbd: {  	p0 =	sne.s32 s7, s13;
	_ =	swait.ge [sflag:s31], $0x4000  }
.Ltmp1:
0xbe: {  	[sflag:s31] =	ssyncset.done $0x0;
	(pc) =	sbr.rel @p0 .LBB2_1-.Ltmp1, $4  }
0xbf: {  	[sflag:s31] =	ssyncadd.s32 $0xFFFFC000  }
0xc0: {  	_ =	swait.ge [sflag:s19], $0x4000  }
0xc1: {  	[sflag:s19] =	ssyncset.done $0x0  }
0xc2: {  	[sflag:s19] =	ssyncadd.s32 $0xFFFFC000  }
0xc3: {  	_ =	sfence.sel $0x180000  }
0xc4: {  	[bflag:$0x0] =	sbarrier.arrive $0xFFFF  }
0xc5: {  	_ =	strace $0x90000047  }
0xc6: {  	s0 =	stileid.u32;
	[bflag:$0x2] =	sbarrier.arrive $0xFFFF  }
0xc7: {  	p0 =	sne.s32 s0, $0x0;
	s0 =	rddreg [dreg:$0x3]  }
0xc8: {  	s0 =	sadd.s32 @!p0 $0x100000, s0  }
0xc9: {  	[sflag:s0] =	ssyncadd.tile.s32 @!p0 $0x1;
	_ =	shalt  }
.Lfunc_end2:
_tile_overlayer_lowered:
.L_overlay_start_2:
0xca: {  	(tag) =	ssettag $0x2  }
0xcb: {  	s0 =	rddreg [dreg:$0x0];
	s2 =	stileid.u32  }
0xcc: {  	s1 =	rddreg [dreg:$0x1];
	p0 =	sne.s32 s2, $0x0  }
0xcd: {  	s3 =	rddreg [dreg:$0x2];
	[bflag:$0x3] =	sbarrier.arrive $0xFFFF;
	s2 =	simm.s32 @!p0 $0x1C0D  }
0xce: {  	[timem:s3], [sflag:s2] =	dma.local @!p0 [hbm:s0], s1  }
0xcf: {  	s0 =	simm.s32 @!p0 $0xD  }
0xd0: {  	_ =	swait.ge @!p0 [sflag:s0], s1  }
0xd1: {  	s1 =	ssub.s32 @!p0 $0x0, s1;
	[sflag:s0] =	ssyncset.done @!p0 $0x0  }
0xd2: {  	[sflag:s0] =	ssyncadd.s32 @!p0 s1  }
0xd3: {  	[bflag:$0x3] =	sbarrier.arrive $0xFFFF  }
0xd4: {  	_ =	shalt  }

</sc_bundles>
